<compile_context>
chip_gen: v7x
topology: tpu7x:2x2x1
jax: 0.10.2.dev20260603
libtpu: 0.0.44.dev20260713+nightly
codegen_flags: <defaults>
</compile_context>

<pallas_src>
import functools

import jax
import jax.numpy as jnp
from jax import lax
from jax.experimental import pallas as pl
from jax.experimental.pallas import tpu as pltpu
from jax.experimental.pallas import tpu_sc as plsc

N_NODES = 10000
N_EDGES = 320000
IN_DIM = 128
HID = 64
PAY = 128

NC, NS = 2, 16
NW = NC * NS
EPT = N_EDGES // NW
K = 80
NBLK = EPT // K
EPT_PAD = 10112
N_PAD = 10112
ROWS_PAD = N_PAD // NS
DEG_PAD = 12288
DEG_ROWS = DEG_PAD // NS

_mesh = functools.partial(
    plsc.VectorSubcoreMesh, core_axis_name="c", subcore_axis_name="s",
    num_cores=NC, num_subcores=NS)


def _deg_body(dst_hbm, zeros_hbm, out_hbm, dst_v, ones_v, deg_sh, sem):
    cid = lax.axis_index("c")
    sid = lax.axis_index("s")
    wid = cid * NS + sid
    pltpu.sync_copy(dst_hbm.at[wid], dst_v)
    for i in range(8):
        ones_v[pl.ds(i * 16, 16)] = jnp.ones((16,), jnp.float32)
    pltpu.sync_copy(zeros_hbm.at[pl.ds(sid * DEG_ROWS, DEG_ROWS)],
                    deg_sh.at[pl.ds(sid * DEG_ROWS, DEG_ROWS)])
    plsc.subcore_barrier()

    def body(j, carry):
        pltpu.async_copy(ones_v.at[pl.ds(0, K)], deg_sh.at[dst_v.at[j]], sem,
                         add=True)
        return carry

    lax.fori_loop(0, NBLK, body, 0)

    def drain(j, carry):
        pltpu.make_async_copy(ones_v.at[pl.ds(0, K)], deg_sh.at[dst_v.at[0]],
                              sem).wait()
        return carry

    lax.fori_loop(0, NBLK, drain, 0)
    plsc.subcore_barrier()
    pltpu.sync_copy(deg_sh.at[pl.ds(sid * DEG_ROWS, DEG_ROWS)],
                    out_hbm.at[pl.ds(cid * DEG_PAD + sid * DEG_ROWS,
                                     DEG_ROWS)])


_deg_call = functools.partial(
    pl.kernel,
    _deg_body,
    out_type=jax.ShapeDtypeStruct((NC * DEG_PAD,), jnp.float32),
    scratch_types=[
        pltpu.VMEM((NBLK, K), jnp.int32),
        pltpu.VMEM((128,), jnp.float32),
        pltpu.VMEM_SHARED((DEG_PAD,), jnp.float32),
        pltpu.SemaphoreType.DMA,
    ],
)


def _agg_body(hs_hbm, src_hbm, dst_hbm, zeros_hbm, out_hbm,
              src_v, dst_v, buf0, buf1, agg_sh, sem0, sem1):
    cid = lax.axis_index("c")
    sid = lax.axis_index("s")
    wid = cid * NS + sid
    pltpu.sync_copy(src_hbm.at[pl.ds(wid * EPT_PAD, EPT_PAD)], src_v)
    pltpu.sync_copy(dst_hbm.at[wid], dst_v)
    pltpu.sync_copy(zeros_hbm.at[pl.ds(sid * ROWS_PAD, ROWS_PAD)],
                    agg_sh.at[pl.ds(sid * ROWS_PAD, ROWS_PAD)])
    plsc.subcore_barrier()

    def src_at(j):
        return src_v.at[pl.ds(pl.multiple_of(j * K, 16), K)]

    pltpu.async_copy(hs_hbm.at[src_at(0)], buf0, sem0)
    pltpu.async_copy(hs_hbm.at[src_at(1)], buf1, sem1)

    def body(j, carry):
        nxt = jnp.minimum(j + 2, NBLK - 1)

        @pl.when(lax.rem(j, 2) == 0)
        def _():
            pltpu.make_async_copy(hs_hbm.at[src_at(0)], buf0, sem0).wait()
            pltpu.sync_copy(buf0, agg_sh.at[dst_v.at[j]], add=True)
            pltpu.async_copy(hs_hbm.at[src_at(nxt)], buf0, sem0)

        @pl.when(lax.rem(j, 2) == 1)
        def _():
            pltpu.make_async_copy(hs_hbm.at[src_at(0)], buf1, sem1).wait()
            pltpu.sync_copy(buf1, agg_sh.at[dst_v.at[j]], add=True)
            pltpu.async_copy(hs_hbm.at[src_at(nxt)], buf1, sem1)

        return carry

    lax.fori_loop(0, NBLK, body, 0)
    pltpu.make_async_copy(hs_hbm.at[src_at(0)], buf0, sem0).wait()
    pltpu.make_async_copy(hs_hbm.at[src_at(0)], buf1, sem1).wait()
    plsc.subcore_barrier()
    pltpu.sync_copy(agg_sh.at[pl.ds(sid * ROWS_PAD, ROWS_PAD)],
                    out_hbm.at[cid, pl.ds(sid * ROWS_PAD, ROWS_PAD)])


_agg_call = functools.partial(
    pl.kernel,
    _agg_body,
    out_type=jax.ShapeDtypeStruct((NC, N_PAD, PAY), jnp.float32),
    scratch_types=[
        pltpu.VMEM((EPT_PAD,), jnp.int32),
        pltpu.VMEM((NBLK, K), jnp.int32),
        pltpu.VMEM((K, PAY), jnp.float32),
        pltpu.VMEM((K, PAY), jnp.float32),
        pltpu.VMEM_SHARED((N_PAD, PAY), jnp.float32),
        pltpu.SemaphoreType.DMA,
        pltpu.SemaphoreType.DMA,
    ],
)


_RB = 632
_GRID = N_PAD // _RB


def _prep_body(degp_ref, x_ref, w1_ref, h1_ref, hs1_ref, dis_ref, inv_ref):
    deg = degp_ref[0, 0, :] + degp_ref[0, 1, :] + 1.0
    inv = 1.0 / deg
    dis = lax.rsqrt(deg)
    h1 = jnp.dot(x_ref[...], w1_ref[...], preferred_element_type=jnp.float32)
    h1_ref[...] = h1
    hs1 = h1 * dis[:, None]
    hs1_ref[...] = jnp.pad(hs1, ((0, 0), (0, PAY - HID)))
    dis_ref[...] = dis[:, None]
    inv_ref[...] = inv[:, None]


def _prep_call(deg_p, x, W1):
    return pl.pallas_call(
        _prep_body,
        grid=(_GRID,),
        in_specs=[
            pl.BlockSpec((1, NC, _RB), lambda i: (i, 0, 0)),
            pl.BlockSpec((_RB, IN_DIM), lambda i: (i, 0)),
            pl.BlockSpec((IN_DIM, HID), lambda i: (0, 0)),
        ],
        out_specs=[
            pl.BlockSpec((_RB, HID), lambda i: (i, 0)),
            pl.BlockSpec((_RB, PAY), lambda i: (i, 0)),
            pl.BlockSpec((_RB, 1), lambda i: (i, 0)),
            pl.BlockSpec((_RB, 1), lambda i: (i, 0)),
        ],
        out_shape=[
            jax.ShapeDtypeStruct((N_PAD, HID), jnp.float32),
            jax.ShapeDtypeStruct((N_PAD, PAY), jnp.float32),
            jax.ShapeDtypeStruct((N_PAD, 1), jnp.float32),
            jax.ShapeDtypeStruct((N_PAD, 1), jnp.float32),
        ],
    )(deg_p, x, W1)


def _mid_body(aggp_ref, h1_ref, dis_ref, inv_ref, b1_ref, w2_ref,
              h2_ref, hs2_ref):
    agg = aggp_ref[0, :, :HID] + aggp_ref[1, :, :HID]
    z1 = jnp.maximum(
        dis_ref[...] * agg + h1_ref[...] * inv_ref[...] + b1_ref[...], 0.0)
    h2 = jnp.dot(z1, w2_ref[...], preferred_element_type=jnp.float32)
    h2_ref[...] = h2
    hs2_ref[...] = jnp.pad(h2 * dis_ref[...], ((0, 0), (0, PAY - HID)))


def _mid_call(agg_p, h1, dis, inv, b1, W2):
    return pl.pallas_call(
        _mid_body,
        grid=(_GRID,),
        in_specs=[
            pl.BlockSpec((NC, _RB, PAY), lambda i: (0, i, 0)),
            pl.BlockSpec((_RB, HID), lambda i: (i, 0)),
            pl.BlockSpec((_RB, 1), lambda i: (i, 0)),
            pl.BlockSpec((_RB, 1), lambda i: (i, 0)),
            pl.BlockSpec((1, HID), lambda i: (0, 0)),
            pl.BlockSpec((HID, HID), lambda i: (0, 0)),
        ],
        out_specs=[
            pl.BlockSpec((_RB, HID), lambda i: (i, 0)),
            pl.BlockSpec((_RB, PAY), lambda i: (i, 0)),
        ],
        out_shape=[
            jax.ShapeDtypeStruct((N_PAD, HID), jnp.float32),
            jax.ShapeDtypeStruct((N_PAD, PAY), jnp.float32),
        ],
    )(agg_p, h1, dis, inv, b1, W2)


def _fin_body(aggp_ref, h2_ref, dis_ref, inv_ref, b2_ref, out_ref):
    agg = aggp_ref[0, :, :HID] + aggp_ref[1, :, :HID]
    out_ref[...] = (dis_ref[...] * agg + h2_ref[...] * inv_ref[...]
                    + b2_ref[...])


def _fin_call(agg_p, h2, dis, inv, b2):
    return pl.pallas_call(
        _fin_body,
        grid=(_GRID,),
        in_specs=[
            pl.BlockSpec((NC, _RB, PAY), lambda i: (0, i, 0)),
            pl.BlockSpec((_RB, HID), lambda i: (i, 0)),
            pl.BlockSpec((_RB, 1), lambda i: (i, 0)),
            pl.BlockSpec((_RB, 1), lambda i: (i, 0)),
            pl.BlockSpec((1, HID), lambda i: (0, 0)),
        ],
        out_specs=pl.BlockSpec((_RB, HID), lambda i: (i, 0)),
        out_shape=jax.ShapeDtypeStruct((N_PAD, HID), jnp.float32),
    )(agg_p, h2, dis, inv, b2)


def kernel(x, edge_index, W1, b1, W2, b2):
    ei = edge_index.astype(jnp.int32)
    src = jnp.pad(ei[0].reshape(NW, EPT), ((0, 0), (0, EPT_PAD - EPT))
                  ).reshape(NW * EPT_PAD)
    dst = ei[1].reshape(NW, NBLK, K)
    x_pad = jnp.pad(x, ((0, N_PAD - N_NODES), (0, 0)))
    zeros1 = jnp.zeros((DEG_PAD,), jnp.float32)
    zeros2 = jnp.zeros((N_PAD, PAY), jnp.float32)

    deg_p = _deg_call(mesh=_mesh())(dst, zeros1)
    deg_r = (deg_p.reshape(NC, DEG_PAD)[:, :N_PAD]
             .reshape(NC, _GRID, _RB).transpose(1, 0, 2))
    h1, hs1, dis, inv = _prep_call(deg_r, x_pad, W1)
    agg1 = _agg_call(mesh=_mesh())(hs1, src, dst, zeros2)
    h2, hs2 = _mid_call(agg1, h1, dis, inv, b1.reshape(1, HID), W2)
    agg2 = _agg_call(mesh=_mesh())(hs2, src, dst, zeros2)
    out = _fin_call(agg2, h2, dis, inv, b2.reshape(1, HID))
    return out[:N_NODES]

# --- scband reference (transcript-rebuilt; emitter-appended) ---
"""Pipeline reference for scband-link-prediction-gnn-67791763800741 (READ-ONLY COPY).

The authoritative reference and input builder live on the scoring server;
editing this copy changes nothing except your own understanding.
"""

import jax, jax.numpy as jnp
import numpy as np

N_NODES = 10000
N_EDGES = 320000
IN_DIM = 128
HID_DIM = 64


def _glorot(key, shape):
    fan_in, fan_out = shape[0], shape[1]
    limit = float(np.sqrt(6.0 / (fan_in + fan_out)))
    return jax.random.uniform(key, shape, dtype=jnp.float32, minval=-limit, maxval=limit)


def setup_inputs(seed: int = 0) -> dict:
    key = jax.random.key(seed)
    k_x, k_e, k_w1, k_w2 = jax.random.split(key, 4)
    x = jax.random.normal(k_x, (N_NODES, IN_DIM), dtype=jnp.float32)
    edge_index = jax.random.randint(k_e, (2, N_EDGES), 0, N_NODES, dtype=jnp.int64)
    W1 = _glorot(k_w1, (IN_DIM, HID_DIM))
    b1 = jnp.zeros((HID_DIM,), dtype=jnp.float32)
    W2 = _glorot(k_w2, (HID_DIM, HID_DIM))
    b2 = jnp.zeros((HID_DIM,), dtype=jnp.float32)
    return {"x": x, "edge_index": edge_index, "W1": W1, "b1": b1, "W2": W2, "b2": b2}


def _gcn_conv(x, edge_index, W, b):
    # Faithful PyG GCNConv: add self-loops, symmetric deg^-1/2 normalization,
    # linear transform, scatter-add aggregation, bias.
    num_nodes = x.shape[0]
    loop = jnp.arange(num_nodes, dtype=edge_index.dtype)
    src = jnp.concatenate([edge_index[0], loop])
    dst = jnp.concatenate([edge_index[1], loop])
    deg = jnp.zeros((num_nodes,), dtype=jnp.float32).at[dst].add(1.0)
    deg_inv_sqrt = jnp.where(deg > 0, deg ** -0.5, 0.0)
    norm = deg_inv_sqrt[src] * deg_inv_sqrt[dst]
    h = x @ W
    msg = h[src] * norm[:, None]
    out = jnp.zeros((num_nodes, W.shape[1]), dtype=jnp.float32).at[dst].add(msg)
    return out + b


def reference(x, edge_index, W1, b1, W2, b2):
    # Layer 1 + ReLU (dropout is identity in eval mode)
    h = _gcn_conv(x, edge_index, W1, b1)
    h = jax.nn.relu(h)
    # Layer 2 (final layer: no activation)
    out = _gcn_conv(h, edge_index, W2, b2)
    return out

if __name__ == "__main__":
    import jax
    _d = setup_inputs()
    print(jax.jit(kernel)(*tuple(_d.values())))

</pallas_src>

<mosaic_0001>
#map = affine_map<(d0, d1) -> (0, 0, 0)>
#map1 = affine_map<(d0, d1) -> (0)>
module attributes {stable_mosaic.version = 14 : i64} {
  func.func @_deg_body(%arg0: i32, %arg1: i32, %arg2: memref<32x125x80xi32, #tpu.memory_space<hbm>>, %arg3: memref<12288xf32, #tpu.memory_space<hbm>>, %arg4: memref<24576xf32, #tpu.memory_space<hbm>>, %arg5: memref<125x80xi32, #tpu.memory_space<vmem>>, %arg6: memref<128xf32, #tpu.memory_space<vmem>>, %arg7: memref<12288xf32, #tpu.memory_space<vmem_shared>>, %arg8: memref<!tpu.dma_semaphore, #tpu.memory_space<semaphore_mem>>) attributes {dimension_semantics = [#tpu.dimension_semantics<core_parallel>, #tpu.dimension_semantics<subcore_parallel>], iteration_bounds = array<i64: 2, 16>, scalar_prefetch = 0 : i64, scratch_operands = 4 : i64, tpu.core_type = #tpu.core_type<sc_vector_subcore>, window_params = [{transform_indices = #map}, {transform_indices = #map1}, {transform_indices = #map1}]} {
    %mul3A = arith.constant 16 : i32
    %mul3A_0 = arith.muli %arg0, %mul3A : i32
    %add3A = arith.addi %mul3A_0, %arg1 : i32
    "tpu.region"() ({
      %run_scoped3A = tpu.sem_alloc : memref<!tpu.dma_semaphore, #tpu.memory_space<semaphore_mem>>
      %dma_start3A = arith.constant 0 : i32
      %dma_start3A_70 = arith.constant 0 : i32
      %dma_start3A_71 = tpu.memref_slice %arg2[%add3A, %dma_start3A, %dma_start3A_70] : memref<32x125x80xi32, #tpu.memory_space<hbm>> -> memref<1x125x80xi32, #tpu.memory_space<hbm>>
      %dma_start3A_72 = tpu.memref_squeeze %dma_start3A_71 : memref<1x125x80xi32, #tpu.memory_space<hbm>> -> memref<125x80xi32, #tpu.memory_space<hbm>>
      %dma_start3A_73 = arith.constant 0 : i32
      %dma_start3A_74 = arith.constant 0 : i32
      %dma_start3A_75 = tpu.memref_slice %arg2[%add3A, %dma_start3A_73, %dma_start3A_74] : memref<32x125x80xi32, #tpu.memory_space<hbm>> -> memref<1x125x80xi32, #tpu.memory_space<hbm>>
      %dma_start3A_76 = tpu.memref_squeeze %dma_start3A_75 : memref<1x125x80xi32, #tpu.memory_space<hbm>> -> memref<125x80xi32, #tpu.memory_space<hbm>>
      tpu.enqueue_dma source(%dma_start3A_76 : memref<125x80xi32, #tpu.memory_space<hbm>>) target(%arg5 : memref<125x80xi32, #tpu.memory_space<vmem>>) target_semaphore(%run_scoped3A : memref<!tpu.dma_semaphore, #tpu.memory_space<semaphore_mem>>)
      %dma_wait3A = arith.constant 0 : i32
      %dma_wait3A_77 = arith.constant 0 : i32
      %dma_wait3A_78 = tpu.memref_slice %arg2[%add3A, %dma_wait3A, %dma_wait3A_77] : memref<32x125x80xi32, #tpu.memory_space<hbm>> -> memref<1x125x80xi32, #tpu.memory_space<hbm>>
      %dma_wait3A_79 = tpu.memref_squeeze %dma_wait3A_78 : memref<1x125x80xi32, #tpu.memory_space<hbm>> -> memref<125x80xi32, #tpu.memory_space<hbm>>
      %dma_wait3A_80 = arith.constant 0 : i32
      %dma_wait3A_81 = arith.constant 0 : i32
      %dma_wait3A_82 = tpu.memref_slice %arg2[%add3A, %dma_wait3A_80, %dma_wait3A_81] : memref<32x125x80xi32, #tpu.memory_space<hbm>> -> memref<1x125x80xi32, #tpu.memory_space<hbm>>
      %dma_wait3A_83 = tpu.memref_squeeze %dma_wait3A_82 : memref<1x125x80xi32, #tpu.memory_space<hbm>> -> memref<125x80xi32, #tpu.memory_space<hbm>>
      tpu.wait_dma2 semaphore(%run_scoped3A : memref<!tpu.dma_semaphore, #tpu.memory_space<semaphore_mem>>) src(%dma_wait3A_83 : memref<125x80xi32, #tpu.memory_space<hbm>>) dst(%arg5 : memref<125x80xi32, #tpu.memory_space<vmem>>)
      tpu.yield
    }) : () -> ()
    %broadcast_in_dim3A = arith.constant 1.000000e+00 : f32
    %broadcast_in_dim3A_1 = vector.broadcast %broadcast_in_dim3A : f32 to vector<16xf32>
    %swap3A = arith.constant 0 : index
    %swap3A_2 = tpu.vector_load %arg6[%swap3A] {strides = array<i32>} : memref<128xf32, #tpu.memory_space<vmem>>, vector<16xf32>,
    %swap3A_3 = vector.shape_cast %swap3A_2 : vector<16xf32> to vector<16xf32>
    %swap3A_4 = vector.shape_cast %broadcast_in_dim3A_1 : vector<16xf32> to vector<16xf32>
    tpu.vector_store %arg6[%swap3A], %swap3A_4 {strides = array<i32>} : memref<128xf32, #tpu.memory_space<vmem>>, vector<16xf32>,
    %broadcast_in_dim3A_5 = arith.constant 1.000000e+00 : f32
    %broadcast_in_dim3A_6 = vector.broadcast %broadcast_in_dim3A_5 : f32 to vector<16xf32>
    %swap3A_7 = arith.constant 16 : index
    %swap3A_8 = tpu.vector_load %arg6[%swap3A_7] {strides = array<i32>} : memref<128xf32, #tpu.memory_space<vmem>>, vector<16xf32>,
    %swap3A_9 = vector.shape_cast %swap3A_8 : vector<16xf32> to vector<16xf32>
    %swap3A_10 = vector.shape_cast %broadcast_in_dim3A_6 : vector<16xf32> to vector<16xf32>
    tpu.vector_store %arg6[%swap3A_7], %swap3A_10 {strides = array<i32>} : memref<128xf32, #tpu.memory_space<vmem>>, vector<16xf32>,
    %broadcast_in_dim3A_11 = arith.constant 1.000000e+00 : f32
    %broadcast_in_dim3A_12 = vector.broadcast %broadcast_in_dim3A_11 : f32 to vector<16xf32>
    %swap3A_13 = arith.constant 32 : index
    %swap3A_14 = tpu.vector_load %arg6[%swap3A_13] {strides = array<i32>} : memref<128xf32, #tpu.memory_space<vmem>>, vector<16xf32>,
    %swap3A_15 = vector.shape_cast %swap3A_14 : vector<16xf32> to vector<16xf32>
    %swap3A_16 = vector.shape_cast %broadcast_in_dim3A_12 : vector<16xf32> to vector<16xf32>
    tpu.vector_store %arg6[%swap3A_13], %swap3A_16 {strides = array<i32>} : memref<128xf32, #tpu.memory_space<vmem>>, vector<16xf32>,
    %broadcast_in_dim3A_17 = arith.constant 1.000000e+00 : f32
    %broadcast_in_dim3A_18 = vector.broadcast %broadcast_in_dim3A_17 : f32 to vector<16xf32>
    %swap3A_19 = arith.constant 48 : index
    %swap3A_20 = tpu.vector_load %arg6[%swap3A_19] {strides = array<i32>} : memref<128xf32, #tpu.memory_space<vmem>>, vector<16xf32>,
    %swap3A_21 = vector.shape_cast %swap3A_20 : vector<16xf32> to vector<16xf32>
    %swap3A_22 = vector.shape_cast %broadcast_in_dim3A_18 : vector<16xf32> to vector<16xf32>
    tpu.vector_store %arg6[%swap3A_19], %swap3A_22 {strides = array<i32>} : memref<128xf32, #tpu.memory_space<vmem>>, vector<16xf32>,
    %broadcast_in_dim3A_23 = arith.constant 1.000000e+00 : f32
    %broadcast_in_dim3A_24 = vector.broadcast %broadcast_in_dim3A_23 : f32 to vector<16xf32>
    %swap3A_25 = arith.constant 64 : index
    %swap3A_26 = tpu.vector_load %arg6[%swap3A_25] {strides = array<i32>} : memref<128xf32, #tpu.memory_space<vmem>>, vector<16xf32>,
    %swap3A_27 = vector.shape_cast %swap3A_26 : vector<16xf32> to vector<16xf32>
    %swap3A_28 = vector.shape_cast %broadcast_in_dim3A_24 : vector<16xf32> to vector<16xf32>
    tpu.vector_store %arg6[%swap3A_25], %swap3A_28 {strides = array<i32>} : memref<128xf32, #tpu.memory_space<vmem>>, vector<16xf32>,
    %broadcast_in_dim3A_29 = arith.constant 1.000000e+00 : f32
    %broadcast_in_dim3A_30 = vector.broadcast %broadcast_in_dim3A_29 : f32 to vector<16xf32>
    %swap3A_31 = arith.constant 80 : index
    %swap3A_32 = tpu.vector_load %arg6[%swap3A_31] {strides = array<i32>} : memref<128xf32, #tpu.memory_space<vmem>>, vector<16xf32>,
    %swap3A_33 = vector.shape_cast %swap3A_32 : vector<16xf32> to vector<16xf32>
    %swap3A_34 = vector.shape_cast %broadcast_in_dim3A_30 : vector<16xf32> to vector<16xf32>
    tpu.vector_store %arg6[%swap3A_31], %swap3A_34 {strides = array<i32>} : memref<128xf32, #tpu.memory_space<vmem>>, vector<16xf32>,
    %broadcast_in_dim3A_35 = arith.constant 1.000000e+00 : f32
    %broadcast_in_dim3A_36 = vector.broadcast %broadcast_in_dim3A_35 : f32 to vector<16xf32>
    %swap3A_37 = arith.constant 96 : index
    %swap3A_38 = tpu.vector_load %arg6[%swap3A_37] {strides = array<i32>} : memref<128xf32, #tpu.memory_space<vmem>>, vector<16xf32>,
    %swap3A_39 = vector.shape_cast %swap3A_38 : vector<16xf32> to vector<16xf32>
    %swap3A_40 = vector.shape_cast %broadcast_in_dim3A_36 : vector<16xf32> to vector<16xf32>
    tpu.vector_store %arg6[%swap3A_37], %swap3A_40 {strides = array<i32>} : memref<128xf32, #tpu.memory_space<vmem>>, vector<16xf32>,
    %broadcast_in_dim3A_41 = arith.constant 1.000000e+00 : f32
    %broadcast_in_dim3A_42 = vector.broadcast %broadcast_in_dim3A_41 : f32 to vector<16xf32>
    %swap3A_43 = arith.constant 112 : index
    %swap3A_44 = tpu.vector_load %arg6[%swap3A_43] {strides = array<i32>} : memref<128xf32, #tpu.memory_space<vmem>>, vector<16xf32>,
    %swap3A_45 = vector.shape_cast %swap3A_44 : vector<16xf32> to vector<16xf32>
    %swap3A_46 = vector.shape_cast %broadcast_in_dim3A_42 : vector<16xf32> to vector<16xf32>
    tpu.vector_store %arg6[%swap3A_43], %swap3A_46 {strides = array<i32>} : memref<128xf32, #tpu.memory_space<vmem>>, vector<16xf32>,
    %mul3A_47 = arith.constant 768 : i32
    %mul3A_48 = arith.muli %arg1, %mul3A_47 : i32
    %mul3A_49 = arith.constant 768 : i32
    %mul3A_50 = arith.muli %arg1, %mul3A_49 : i32
    "tpu.region"() ({
      %run_scoped3A = tpu.sem_alloc : memref<!tpu.dma_semaphore, #tpu.memory_space<semaphore_mem>>
      %dma_start3A = tpu.memref_slice %arg7[%mul3A_50] : memref<12288xf32, #tpu.memory_space<vmem_shared>> -> memref<768xf32, #tpu.memory_space<vmem_shared>>
      %dma_start3A_70 = tpu.memref_slice %arg3[%mul3A_48] : memref<12288xf32, #tpu.memory_space<hbm>> -> memref<768xf32, #tpu.memory_space<hbm>>
      tpu.enqueue_dma source(%dma_start3A_70 : memref<768xf32, #tpu.memory_space<hbm>>) target(%dma_start3A : memref<768xf32, #tpu.memory_space<vmem_shared>>) target_semaphore(%run_scoped3A : memref<!tpu.dma_semaphore, #tpu.memory_space<semaphore_mem>>)
      %dma_wait3A = tpu.memref_slice %arg7[%mul3A_50] : memref<12288xf32, #tpu.memory_space<vmem_shared>> -> memref<768xf32, #tpu.memory_space<vmem_shared>>
      %dma_wait3A_71 = tpu.memref_slice %arg3[%mul3A_48] : memref<12288xf32, #tpu.memory_space<hbm>> -> memref<768xf32, #tpu.memory_space<hbm>>
      tpu.wait_dma2 semaphore(%run_scoped3A : memref<!tpu.dma_semaphore, #tpu.memory_space<semaphore_mem>>) src(%dma_wait3A_71 : memref<768xf32, #tpu.memory_space<hbm>>) dst(%dma_wait3A : memref<768xf32, #tpu.memory_space<vmem_shared>>)
      tpu.yield
    }) : () -> ()
    %barrier3A = arith.constant 0 : index
    tpu.barrier barrier_id(%barrier3A)
    %scan3A = arith.constant 0 : i32
    %scan3A_51 = arith.constant 0 : i32
    %scan3A_52 = arith.constant 125 : i32
    %scan3A_53 = arith.addi %scan3A_51, %scan3A_52 : i32
    %scan3A_54 = arith.constant 1 : i32
    scf.for %scan3A_70 = %scan3A_51 to %scan3A_53 step %scan3A_54  : i32 {
      %dma_start3A = arith.constant 0 : i32
      %dma_start3A_71 = tpu.memref_slice %arg6[%dma_start3A] : memref<128xf32, #tpu.memory_space<vmem>> -> memref<80xf32, #tpu.memory_space<vmem>>
      %dma_start3A_72 = arith.constant 0 : i32
      %dma_start3A_73 = tpu.memref_slice %arg5[%scan3A_70, %dma_start3A_72] : memref<125x80xi32, #tpu.memory_space<vmem>> -> memref<1x80xi32, #tpu.memory_space<vmem>>
      %dma_start3A_74 = tpu.memref_squeeze %dma_start3A_73 : memref<1x80xi32, #tpu.memory_space<vmem>> -> memref<80xi32, #tpu.memory_space<vmem>>
      %dma_start3A_75 = arith.constant 0 : i32
      %dma_start3A_76 = tpu.memref_slice %arg7[%dma_start3A_75] : memref<12288xf32, #tpu.memory_space<vmem_shared>> -> memref<12288xf32, #tpu.memory_space<vmem_shared>>
      tpu.enqueue_indirect_dma source(%dma_start3A_71 : memref<80xf32, #tpu.memory_space<vmem>>) target(%dma_start3A_76 : memref<12288xf32, #tpu.memory_space<vmem_shared>>) offsets(%dma_start3A_74 : memref<80xi32, #tpu.memory_space<vmem>>) semaphore(%arg8 : memref<!tpu.dma_semaphore, #tpu.memory_space<semaphore_mem>>) {add = true}
    }
    %scan3A_55 = arith.constant 125 : i32
    %scan3A_56 = arith.constant 0 : i32
    %scan3A_57 = arith.constant 0 : i32
    %scan3A_58 = arith.constant 125 : i32
    %scan3A_59 = arith.addi %scan3A_57, %scan3A_58 : i32
    %scan3A_60 = arith.constant 1 : i32
    scf.for %scan3A_70 = %scan3A_57 to %scan3A_59 step %scan3A_60  : i32 {
      %dma_wait3A = arith.constant 0 : i32
      %dma_wait3A_71 = arith.constant 0 : i32
      %dma_wait3A_72 = tpu.memref_slice %arg6[%dma_wait3A_71] : memref<128xf32, #tpu.memory_space<vmem>> -> memref<80xf32, #tpu.memory_space<vmem>>
      %dma_wait3A_73 = arith.constant 0 : i32
      %dma_wait3A_74 = tpu.memref_slice %arg5[%dma_wait3A, %dma_wait3A_73] : memref<125x80xi32, #tpu.memory_space<vmem>> -> memref<1x80xi32, #tpu.memory_space<vmem>>
      %dma_wait3A_75 = tpu.memref_squeeze %dma_wait3A_74 : memref<1x80xi32, #tpu.memory_space<vmem>> -> memref<80xi32, #tpu.memory_space<vmem>>
      %dma_wait3A_76 = arith.constant 0 : i32
      %dma_wait3A_77 = tpu.memref_slice %arg7[%dma_wait3A_76] : memref<12288xf32, #tpu.memory_space<vmem_shared>> -> memref<12288xf32, #tpu.memory_space<vmem_shared>>
      tpu.wait_indirect_dma semaphore(%arg8 : memref<!tpu.dma_semaphore, #tpu.memory_space<semaphore_mem>>) src(%dma_wait3A_72 : memref<80xf32, #tpu.memory_space<vmem>>) dst(%dma_wait3A_77 : memref<12288xf32, #tpu.memory_space<vmem_shared>>)
    }
    %scan3A_61 = arith.constant 125 : i32
    %barrier3A_62 = arith.constant 0 : index
    tpu.barrier barrier_id(%barrier3A_62)
    %mul3A_63 = arith.constant 768 : i32
    %mul3A_64 = arith.muli %arg1, %mul3A_63 : i32
    %mul3A_65 = arith.constant 12288 : i32
    %mul3A_66 = arith.muli %arg0, %mul3A_65 : i32
    %mul3A_67 = arith.constant 768 : i32
    %mul3A_68 = arith.muli %arg1, %mul3A_67 : i32
    %add3A_69 = arith.addi %mul3A_66, %mul3A_68 : i32
    "tpu.region"() ({
      %run_scoped3A = tpu.sem_alloc : memref<!tpu.dma_semaphore, #tpu.memory_space<semaphore_mem>>
      %dma_start3A = tpu.memref_slice %arg4[%add3A_69] : memref<24576xf32, #tpu.memory_space<hbm>> -> memref<768xf32, #tpu.memory_space<hbm>>
      %dma_start3A_70 = tpu.memref_slice %arg7[%mul3A_64] : memref<12288xf32, #tpu.memory_space<vmem_shared>> -> memref<768xf32, #tpu.memory_space<vmem_shared>>
      tpu.enqueue_dma source(%dma_start3A_70 : memref<768xf32, #tpu.memory_space<vmem_shared>>) target(%dma_start3A : memref<768xf32, #tpu.memory_space<hbm>>) target_semaphore(%run_scoped3A : memref<!tpu.dma_semaphore, #tpu.memory_space<semaphore_mem>>)
      %dma_wait3A = tpu.memref_slice %arg4[%add3A_69] : memref<24576xf32, #tpu.memory_space<hbm>> -> memref<768xf32, #tpu.memory_space<hbm>>
      %dma_wait3A_71 = tpu.memref_slice %arg7[%mul3A_64] : memref<12288xf32, #tpu.memory_space<vmem_shared>> -> memref<768xf32, #tpu.memory_space<vmem_shared>>
      tpu.wait_dma2 semaphore(%run_scoped3A : memref<!tpu.dma_semaphore, #tpu.memory_space<semaphore_mem>>) src(%dma_wait3A_71 : memref<768xf32, #tpu.memory_space<vmem_shared>>) dst(%dma_wait3A : memref<768xf32, #tpu.memory_space<hbm>>)
      tpu.yield
    }) : () -> ()
    return
  }
}

#map = affine_map<(d0, d1) -> (0, 0)>
#map1 = affine_map<(d0, d1) -> (0)>
#map2 = affine_map<(d0, d1) -> (0, 0, 0)>
module attributes {stable_mosaic.version = 14 : i64} {
  func.func @_agg_body(%arg0: i32, %arg1: i32, %arg2: memref<10112x128xf32, #tpu.memory_space<hbm>>, %arg3: memref<323584xi32, #tpu.memory_space<hbm>>, %arg4: memref<32x125x80xi32, #tpu.memory_space<hbm>>, %arg5: memref<10112x128xf32, #tpu.memory_space<hbm>>, %arg6: memref<2x10112x128xf32, #tpu.memory_space<hbm>>, %arg7: memref<10112xi32, #tpu.memory_space<vmem>>, %arg8: memref<125x80xi32, #tpu.memory_space<vmem>>, %arg9: memref<80x128xf32, #tpu.memory_space<vmem>>, %arg10: memref<80x128xf32, #tpu.memory_space<vmem>>, %arg11: memref<10112x128xf32, #tpu.memory_space<vmem_shared>>, %arg12: memref<!tpu.dma_semaphore, #tpu.memory_space<semaphore_mem>>, %arg13: memref<!tpu.dma_semaphore, #tpu.memory_space<semaphore_mem>>) attributes {dimension_semantics = [#tpu.dimension_semantics<core_parallel>, #tpu.dimension_semantics<subcore_parallel>], iteration_bounds = array<i64: 2, 16>, scalar_prefetch = 0 : i64, scratch_operands = 7 : i64, tpu.core_type = #tpu.core_type<sc_vector_subcore>, window_params = [{transform_indices = #map}, {transform_indices = #map1}, {transform_indices = #map2}, {transform_indices = #map}, {transform_indices = #map2}]} {
    %mul3A = arith.constant 16 : i32
    %mul3A_0 = arith.muli %arg0, %mul3A : i32
    %add3A = arith.addi %mul3A_0, %arg1 : i32
    %mul3A_1 = arith.constant 10112 : i32
    %mul3A_2 = arith.muli %add3A, %mul3A_1 : i32
    "tpu.region"() ({
      %run_scoped3A = tpu.sem_alloc : memref<!tpu.dma_semaphore, #tpu.memory_space<semaphore_mem>>
      %dma_start3A_38 = tpu.memref_slice %arg3[%mul3A_2] : memref<323584xi32, #tpu.memory_space<hbm>> -> memref<10112xi32, #tpu.memory_space<hbm>>
      %dma_start3A_39 = tpu.memref_slice %arg3[%mul3A_2] : memref<323584xi32, #tpu.memory_space<hbm>> -> memref<10112xi32, #tpu.memory_space<hbm>>
      tpu.enqueue_dma source(%dma_start3A_39 : memref<10112xi32, #tpu.memory_space<hbm>>) target(%arg7 : memref<10112xi32, #tpu.memory_space<vmem>>) target_semaphore(%run_scoped3A : memref<!tpu.dma_semaphore, #tpu.memory_space<semaphore_mem>>)
      %dma_wait3A_40 = tpu.memref_slice %arg3[%mul3A_2] : memref<323584xi32, #tpu.memory_space<hbm>> -> memref<10112xi32, #tpu.memory_space<hbm>>
      %dma_wait3A_41 = tpu.memref_slice %arg3[%mul3A_2] : memref<323584xi32, #tpu.memory_space<hbm>> -> memref<10112xi32, #tpu.memory_space<hbm>>
      tpu.wait_dma2 semaphore(%run_scoped3A : memref<!tpu.dma_semaphore, #tpu.memory_space<semaphore_mem>>) src(%dma_wait3A_41 : memref<10112xi32, #tpu.memory_space<hbm>>) dst(%arg7 : memref<10112xi32, #tpu.memory_space<vmem>>)
      tpu.yield
    }) : () -> ()
    "tpu.region"() ({
      %run_scoped3A = tpu.sem_alloc : memref<!tpu.dma_semaphore, #tpu.memory_space<semaphore_mem>>
      %dma_start3A_38 = arith.constant 0 : i32
      %dma_start3A_39 = arith.constant 0 : i32
      %dma_start3A_40 = tpu.memref_slice %arg4[%add3A, %dma_start3A_38, %dma_start3A_39] : memref<32x125x80xi32, #tpu.memory_space<hbm>> -> memref<1x125x80xi32, #tpu.memory_space<hbm>>
      %dma_start3A_41 = tpu.memref_squeeze %dma_start3A_40 : memref<1x125x80xi32, #tpu.memory_space<hbm>> -> memref<125x80xi32, #tpu.memory_space<hbm>>
      %dma_start3A_42 = arith.constant 0 : i32
      %dma_start3A_43 = arith.constant 0 : i32
      %dma_start3A_44 = tpu.memref_slice %arg4[%add3A, %dma_start3A_42, %dma_start3A_43] : memref<32x125x80xi32, #tpu.memory_space<hbm>> -> memref<1x125x80xi32, #tpu.memory_space<hbm>>
      %dma_start3A_45 = tpu.memref_squeeze %dma_start3A_44 : memref<1x125x80xi32, #tpu.memory_space<hbm>> -> memref<125x80xi32, #tpu.memory_space<hbm>>
      tpu.enqueue_dma source(%dma_start3A_45 : memref<125x80xi32, #tpu.memory_space<hbm>>) target(%arg8 : memref<125x80xi32, #tpu.memory_space<vmem>>) target_semaphore(%run_scoped3A : memref<!tpu.dma_semaphore, #tpu.memory_space<semaphore_mem>>)
      %dma_wait3A_46 = arith.constant 0 : i32
      %dma_wait3A_47 = arith.constant 0 : i32
      %dma_wait3A_48 = tpu.memref_slice %arg4[%add3A, %dma_wait3A_46, %dma_wait3A_47] : memref<32x125x80xi32, #tpu.memory_space<hbm>> -> memref<1x125x80xi32, #tpu.memory_space<hbm>>
      %dma_wait3A_49 = tpu.memref_squeeze %dma_wait3A_48 : memref<1x125x80xi32, #tpu.memory_space<hbm>> -> memref<125x80xi32, #tpu.memory_space<hbm>>
      %dma_wait3A_50 = arith.constant 0 : i32
      %dma_wait3A_51 = arith.constant 0 : i32
      %dma_wait3A_52 = tpu.memref_slice %arg4[%add3A, %dma_wait3A_50, %dma_wait3A_51] : memref<32x125x80xi32, #tpu.memory_space<hbm>> -> memref<1x125x80xi32, #tpu.memory_space<hbm>>
      %dma_wait3A_53 = tpu.memref_squeeze %dma_wait3A_52 : memref<1x125x80xi32, #tpu.memory_space<hbm>> -> memref<125x80xi32, #tpu.memory_space<hbm>>
      tpu.wait_dma2 semaphore(%run_scoped3A : memref<!tpu.dma_semaphore, #tpu.memory_space<semaphore_mem>>) src(%dma_wait3A_53 : memref<125x80xi32, #tpu.memory_space<hbm>>) dst(%arg8 : memref<125x80xi32, #tpu.memory_space<vmem>>)
      tpu.yield
    }) : () -> ()
    %mul3A_3 = arith.constant 632 : i32
    %mul3A_4 = arith.muli %arg1, %mul3A_3 : i32
    %mul3A_5 = arith.constant 632 : i32
    %mul3A_6 = arith.muli %arg1, %mul3A_5 : i32
    "tpu.region"() ({
      %run_scoped3A = tpu.sem_alloc : memref<!tpu.dma_semaphore, #tpu.memory_space<semaphore_mem>>
      %dma_start3A_38 = arith.constant 0 : i32
      %dma_start3A_39 = tpu.memref_slice %arg11[%mul3A_6, %dma_start3A_38] : memref<10112x128xf32, #tpu.memory_space<vmem_shared>> -> memref<632x128xf32, #tpu.memory_space<vmem_shared>>
      %dma_start3A_40 = arith.constant 0 : i32
      %dma_start3A_41 = tpu.memref_slice %arg5[%mul3A_4, %dma_start3A_40] : memref<10112x128xf32, #tpu.memory_space<hbm>> -> memref<632x128xf32, #tpu.memory_space<hbm>>
      tpu.enqueue_dma source(%dma_start3A_41 : memref<632x128xf32, #tpu.memory_space<hbm>>) target(%dma_start3A_39 : memref<632x128xf32, #tpu.memory_space<vmem_shared>>) target_semaphore(%run_scoped3A : memref<!tpu.dma_semaphore, #tpu.memory_space<semaphore_mem>>)
      %dma_wait3A_42 = arith.constant 0 : i32
      %dma_wait3A_43 = tpu.memref_slice %arg11[%mul3A_6, %dma_wait3A_42] : memref<10112x128xf32, #tpu.memory_space<vmem_shared>> -> memref<632x128xf32, #tpu.memory_space<vmem_shared>>
      %dma_wait3A_44 = arith.constant 0 : i32
      %dma_wait3A_45 = tpu.memref_slice %arg5[%mul3A_4, %dma_wait3A_44] : memref<10112x128xf32, #tpu.memory_space<hbm>> -> memref<632x128xf32, #tpu.memory_space<hbm>>
      tpu.wait_dma2 semaphore(%run_scoped3A : memref<!tpu.dma_semaphore, #tpu.memory_space<semaphore_mem>>) src(%dma_wait3A_45 : memref<632x128xf32, #tpu.memory_space<hbm>>) dst(%dma_wait3A_43 : memref<632x128xf32, #tpu.memory_space<vmem_shared>>)
      tpu.yield
    }) : () -> ()
    %barrier3A = arith.constant 0 : index
    tpu.barrier barrier_id(%barrier3A)
    %multiple_of3A = arith.constant 0 : i32
    %multiple_of3A_7 = tpu.assume_multiple %multiple_of3A, 16 : i32
    %dma_start3A = tpu.memref_slice %arg7[%multiple_of3A_7] : memref<10112xi32, #tpu.memory_space<vmem>> -> memref<80xi32, #tpu.memory_space<vmem>>
    %dma_start3A_8 = arith.constant 0 : i32
    %dma_start3A_9 = arith.constant 0 : i32
    %dma_start3A_10 = tpu.memref_slice %arg2[%dma_start3A_8, %dma_start3A_9] : memref<10112x128xf32, #tpu.memory_space<hbm>> -> memref<10112x128xf32, #tpu.memory_space<hbm>>
    tpu.enqueue_indirect_dma source(%dma_start3A_10 : memref<10112x128xf32, #tpu.memory_space<hbm>>) target(%arg9 : memref<80x128xf32, #tpu.memory_space<vmem>>) offsets(%dma_start3A : memref<80xi32, #tpu.memory_space<vmem>>) semaphore(%arg12 : memref<!tpu.dma_semaphore, #tpu.memory_space<semaphore_mem>>)
    %multiple_of3A_11 = arith.constant 80 : i32
    %multiple_of3A_12 = tpu.assume_multiple %multiple_of3A_11, 16 : i32
    %dma_start3A_13 = tpu.memref_slice %arg7[%multiple_of3A_12] : memref<10112xi32, #tpu.memory_space<vmem>> -> memref<80xi32, #tpu.memory_space<vmem>>
    %dma_start3A_14 = arith.constant 0 : i32
    %dma_start3A_15 = arith.constant 0 : i32
    %dma_start3A_16 = tpu.memref_slice %arg2[%dma_start3A_14, %dma_start3A_15] : memref<10112x128xf32, #tpu.memory_space<hbm>> -> memref<10112x128xf32, #tpu.memory_space<hbm>>
    tpu.enqueue_indirect_dma source(%dma_start3A_16 : memref<10112x128xf32, #tpu.memory_space<hbm>>) target(%arg10 : memref<80x128xf32, #tpu.memory_space<vmem>>) offsets(%dma_start3A_13 : memref<80xi32, #tpu.memory_space<vmem>>) semaphore(%arg13 : memref<!tpu.dma_semaphore, #tpu.memory_space<semaphore_mem>>)
    %scan3A = arith.constant 0 : i32
    %scan3A_17 = arith.constant 0 : i32
    %scan3A_18 = arith.constant 125 : i32
    %scan3A_19 = arith.addi %scan3A_17, %scan3A_18 : i32
    %scan3A_20 = arith.constant 1 : i32
    scf.for %scan3A_38 = %scan3A_17 to %scan3A_19 step %scan3A_20  : i32 {
      %add3A_39 = arith.constant 2 : i32
      %add3A_40 = arith.addi %scan3A_38, %add3A_39 : i32
      %min3A = arith.constant 124 : i32
      %min3A_41 = arith.minsi %add3A_40, %min3A : i32
      %rem3A = arith.constant 2 : i32
      %rem3A_42 = arith.remsi %scan3A_38, %rem3A : i32
      %eq3A = arith.constant 0 : i32
      %eq3A_43 = arith.cmpi eq, %rem3A_42, %eq3A : i32
      %convert_element_type3A = arith.extui %eq3A_43 : i1 to i32
      %cond3A = arith.constant 0 : i32
      %cond3A_44 = arith.cmpi ne, %convert_element_type3A, %cond3A : i32
      scf.if %cond3A_44 {
        %multiple_of3A_52 = arith.constant 0 : i32
        %multiple_of3A_53 = tpu.assume_multiple %multiple_of3A_52, 16 : i32
        %dma_wait3A_54 = tpu.memref_slice %arg7[%multiple_of3A_53] : memref<10112xi32, #tpu.memory_space<vmem>> -> memref<80xi32, #tpu.memory_space<vmem>>
        %dma_wait3A_55 = arith.constant 0 : i32
        %dma_wait3A_56 = arith.constant 0 : i32
        %dma_wait3A_57 = tpu.memref_slice %arg2[%dma_wait3A_55, %dma_wait3A_56] : memref<10112x128xf32, #tpu.memory_space<hbm>> -> memref<10112x128xf32, #tpu.memory_space<hbm>>
        tpu.wait_indirect_dma semaphore(%arg12 : memref<!tpu.dma_semaphore, #tpu.memory_space<semaphore_mem>>) src(%dma_wait3A_57 : memref<10112x128xf32, #tpu.memory_space<hbm>>) dst(%arg9 : memref<80x128xf32, #tpu.memory_space<vmem>>)
        "tpu.region"() ({
          %run_scoped3A = tpu.sem_alloc : memref<!tpu.dma_semaphore, #tpu.memory_space<semaphore_mem>>
          %dma_start3A_65 = arith.constant 0 : i32
          %dma_start3A_66 = tpu.memref_slice %arg8[%scan3A_38, %dma_start3A_65] : memref<125x80xi32, #tpu.memory_space<vmem>> -> memref<1x80xi32, #tpu.memory_space<vmem>>
          %dma_start3A_67 = tpu.memref_squeeze %dma_start3A_66 : memref<1x80xi32, #tpu.memory_space<vmem>> -> memref<80xi32, #tpu.memory_space<vmem>>
          %dma_start3A_68 = arith.constant 0 : i32
          %dma_start3A_69 = arith.constant 0 : i32
          %dma_start3A_70 = tpu.memref_slice %arg11[%dma_start3A_68, %dma_start3A_69] : memref<10112x128xf32, #tpu.memory_space<vmem_shared>> -> memref<10112x128xf32, #tpu.memory_space<vmem_shared>>
          tpu.enqueue_indirect_dma source(%arg9 : memref<80x128xf32, #tpu.memory_space<vmem>>) target(%dma_start3A_70 : memref<10112x128xf32, #tpu.memory_space<vmem_shared>>) offsets(%dma_start3A_67 : memref<80xi32, #tpu.memory_space<vmem>>) semaphore(%run_scoped3A : memref<!tpu.dma_semaphore, #tpu.memory_space<semaphore_mem>>) {add = true}
          %dma_wait3A_71 = arith.constant 0 : i32
          %dma_wait3A_72 = tpu.memref_slice %arg8[%scan3A_38, %dma_wait3A_71] : memref<125x80xi32, #tpu.memory_space<vmem>> -> memref<1x80xi32, #tpu.memory_space<vmem>>
          %dma_wait3A_73 = tpu.memref_squeeze %dma_wait3A_72 : memref<1x80xi32, #tpu.memory_space<vmem>> -> memref<80xi32, #tpu.memory_space<vmem>>
          %dma_wait3A_74 = arith.constant 0 : i32
          %dma_wait3A_75 = arith.constant 0 : i32
          %dma_wait3A_76 = tpu.memref_slice %arg11[%dma_wait3A_74, %dma_wait3A_75] : memref<10112x128xf32, #tpu.memory_space<vmem_shared>> -> memref<10112x128xf32, #tpu.memory_space<vmem_shared>>
          tpu.wait_indirect_dma semaphore(%run_scoped3A : memref<!tpu.dma_semaphore, #tpu.memory_space<semaphore_mem>>) src(%arg9 : memref<80x128xf32, #tpu.memory_space<vmem>>) dst(%dma_wait3A_76 : memref<10112x128xf32, #tpu.memory_space<vmem_shared>>)
          tpu.yield
        }) : () -> ()
        %mul3A_58 = arith.constant 80 : i32
        %mul3A_59 = arith.muli %min3A_41, %mul3A_58 : i32
        %multiple_of3A_60 = tpu.assume_multiple %mul3A_59, 16 : i32
        %dma_start3A_61 = tpu.memref_slice %arg7[%multiple_of3A_60] : memref<10112xi32, #tpu.memory_space<vmem>> -> memref<80xi32, #tpu.memory_space<vmem>>
        %dma_start3A_62 = arith.constant 0 : i32
        %dma_start3A_63 = arith.constant 0 : i32
        %dma_start3A_64 = tpu.memref_slice %arg2[%dma_start3A_62, %dma_start3A_63] : memref<10112x128xf32, #tpu.memory_space<hbm>> -> memref<10112x128xf32, #tpu.memory_space<hbm>>
        tpu.enqueue_indirect_dma source(%dma_start3A_64 : memref<10112x128xf32, #tpu.memory_space<hbm>>) target(%arg9 : memref<80x128xf32, #tpu.memory_space<vmem>>) offsets(%dma_start3A_61 : memref<80xi32, #tpu.memory_space<vmem>>) semaphore(%arg12 : memref<!tpu.dma_semaphore, #tpu.memory_space<semaphore_mem>>)
      } else {
      }
      %rem3A_45 = arith.constant 2 : i32
      %rem3A_46 = arith.remsi %scan3A_38, %rem3A_45 : i32
      %eq3A_47 = arith.constant 1 : i32
      %eq3A_48 = arith.cmpi eq, %rem3A_46, %eq3A_47 : i32
      %convert_element_type3A_49 = arith.extui %eq3A_48 : i1 to i32
      %cond3A_50 = arith.constant 0 : i32
      %cond3A_51 = arith.cmpi ne, %convert_element_type3A_49, %cond3A_50 : i32
      scf.if %cond3A_51 {
        %multiple_of3A_52 = arith.constant 0 : i32
        %multiple_of3A_53 = tpu.assume_multiple %multiple_of3A_52, 16 : i32
        %dma_wait3A_54 = tpu.memref_slice %arg7[%multiple_of3A_53] : memref<10112xi32, #tpu.memory_space<vmem>> -> memref<80xi32, #tpu.memory_space<vmem>>
        %dma_wait3A_55 = arith.constant 0 : i32
        %dma_wait3A_56 = arith.constant 0 : i32
        %dma_wait3A_57 = tpu.memref_slice %arg2[%dma_wait3A_55, %dma_wait3A_56] : memref<10112x128xf32, #tpu.memory_space<hbm>> -> memref<10112x128xf32, #tpu.memory_space<hbm>>
        tpu.wait_indirect_dma semaphore(%arg13 : memref<!tpu.dma_semaphore, #tpu.memory_space<semaphore_mem>>) src(%dma_wait3A_57 : memref<10112x128xf32, #tpu.memory_space<hbm>>) dst(%arg10 : memref<80x128xf32, #tpu.memory_space<vmem>>)
        "tpu.region"() ({
          %run_scoped3A = tpu.sem_alloc : memref<!tpu.dma_semaphore, #tpu.memory_space<semaphore_mem>>
          %dma_start3A_65 = arith.constant 0 : i32
          %dma_start3A_66 = tpu.memref_slice %arg8[%scan3A_38, %dma_start3A_65] : memref<125x80xi32, #tpu.memory_space<vmem>> -> memref<1x80xi32, #tpu.memory_space<vmem>>
          %dma_start3A_67 = tpu.memref_squeeze %dma_start3A_66 : memref<1x80xi32, #tpu.memory_space<vmem>> -> memref<80xi32, #tpu.memory_space<vmem>>
          %dma_start3A_68 = arith.constant 0 : i32
          %dma_start3A_69 = arith.constant 0 : i32
          %dma_start3A_70 = tpu.memref_slice %arg11[%dma_start3A_68, %dma_start3A_69] : memref<10112x128xf32, #tpu.memory_space<vmem_shared>> -> memref<10112x128xf32, #tpu.memory_space<vmem_shared>>
          tpu.enqueue_indirect_dma source(%arg10 : memref<80x128xf32, #tpu.memory_space<vmem>>) target(%dma_start3A_70 : memref<10112x128xf32, #tpu.memory_space<vmem_shared>>) offsets(%dma_start3A_67 : memref<80xi32, #tpu.memory_space<vmem>>) semaphore(%run_scoped3A : memref<!tpu.dma_semaphore, #tpu.memory_space<semaphore_mem>>) {add = true}
          %dma_wait3A_71 = arith.constant 0 : i32
          %dma_wait3A_72 = tpu.memref_slice %arg8[%scan3A_38, %dma_wait3A_71] : memref<125x80xi32, #tpu.memory_space<vmem>> -> memref<1x80xi32, #tpu.memory_space<vmem>>
          %dma_wait3A_73 = tpu.memref_squeeze %dma_wait3A_72 : memref<1x80xi32, #tpu.memory_space<vmem>> -> memref<80xi32, #tpu.memory_space<vmem>>
          %dma_wait3A_74 = arith.constant 0 : i32
          %dma_wait3A_75 = arith.constant 0 : i32
          %dma_wait3A_76 = tpu.memref_slice %arg11[%dma_wait3A_74, %dma_wait3A_75] : memref<10112x128xf32, #tpu.memory_space<vmem_shared>> -> memref<10112x128xf32, #tpu.memory_space<vmem_shared>>
          tpu.wait_indirect_dma semaphore(%run_scoped3A : memref<!tpu.dma_semaphore, #tpu.memory_space<semaphore_mem>>) src(%arg10 : memref<80x128xf32, #tpu.memory_space<vmem>>) dst(%dma_wait3A_76 : memref<10112x128xf32, #tpu.memory_space<vmem_shared>>)
          tpu.yield
        }) : () -> ()
        %mul3A_58 = arith.constant 80 : i32
        %mul3A_59 = arith.muli %min3A_41, %mul3A_58 : i32
        %multiple_of3A_60 = tpu.assume_multiple %mul3A_59, 16 : i32
        %dma_start3A_61 = tpu.memref_slice %arg7[%multiple_of3A_60] : memref<10112xi32, #tpu.memory_space<vmem>> -> memref<80xi32, #tpu.memory_space<vmem>>
        %dma_start3A_62 = arith.constant 0 : i32
        %dma_start3A_63 = arith.constant 0 : i32
        %dma_start3A_64 = tpu.memref_slice %arg2[%dma_start3A_62, %dma_start3A_63] : memref<10112x128xf32, #tpu.memory_space<hbm>> -> memref<10112x128xf32, #tpu.memory_space<hbm>>
        tpu.enqueue_indirect_dma source(%dma_start3A_64 : memref<10112x128xf32, #tpu.memory_space<hbm>>) target(%arg10 : memref<80x128xf32, #tpu.memory_space<vmem>>) offsets(%dma_start3A_61 : memref<80xi32, #tpu.memory_space<vmem>>) semaphore(%arg13 : memref<!tpu.dma_semaphore, #tpu.memory_space<semaphore_mem>>)
      } else {
      }
    }
    %scan3A_21 = arith.constant 125 : i32
    %multiple_of3A_22 = arith.constant 0 : i32
    %multiple_of3A_23 = tpu.assume_multiple %multiple_of3A_22, 16 : i32
    %dma_wait3A = tpu.memref_slice %arg7[%multiple_of3A_23] : memref<10112xi32, #tpu.memory_space<vmem>> -> memref<80xi32, #tpu.memory_space<vmem>>
    %dma_wait3A_24 = arith.constant 0 : i32
    %dma_wait3A_25 = arith.constant 0 : i32
    %dma_wait3A_26 = tpu.memref_slice %arg2[%dma_wait3A_24, %dma_wait3A_25] : memref<10112x128xf32, #tpu.memory_space<hbm>> -> memref<10112x128xf32, #tpu.memory_space<hbm>>
    tpu.wait_indirect_dma semaphore(%arg12 : memref<!tpu.dma_semaphore, #tpu.memory_space<semaphore_mem>>) src(%dma_wait3A_26 : memref<10112x128xf32, #tpu.memory_space<hbm>>) dst(%arg9 : memref<80x128xf32, #tpu.memory_space<vmem>>)
    %multiple_of3A_27 = arith.constant 0 : i32
    %multiple_of3A_28 = tpu.assume_multiple %multiple_of3A_27, 16 : i32
    %dma_wait3A_29 = tpu.memref_slice %arg7[%multiple_of3A_28] : memref<10112xi32, #tpu.memory_space<vmem>> -> memref<80xi32, #tpu.memory_space<vmem>>
    %dma_wait3A_30 = arith.constant 0 : i32
    %dma_wait3A_31 = arith.constant 0 : i32
    %dma_wait3A_32 = tpu.memref_slice %arg2[%dma_wait3A_30, %dma_wait3A_31] : memref<10112x128xf32, #tpu.memory_space<hbm>> -> memref<10112x128xf32, #tpu.memory_space<hbm>>
    tpu.wait_indirect_dma semaphore(%arg13 : memref<!tpu.dma_semaphore, #tpu.memory_space<semaphore_mem>>) src(%dma_wait3A_32 : memref<10112x128xf32, #tpu.memory_space<hbm>>) dst(%arg10 : memref<80x128xf32, #tpu.memory_space<vmem>>)
    %barrier3A_33 = arith.constant 0 : index
    tpu.barrier barrier_id(%barrier3A_33)
    %mul3A_34 = arith.constant 632 : i32
    %mul3A_35 = arith.muli %arg1, %mul3A_34 : i32
    %mul3A_36 = arith.constant 632 : i32
    %mul3A_37 = arith.muli %arg1, %mul3A_36 : i32
    "tpu.region"() ({
      %run_scoped3A = tpu.sem_alloc : memref<!tpu.dma_semaphore, #tpu.memory_space<semaphore_mem>>
      %dma_start3A_38 = arith.constant 0 : i32
      %dma_start3A_39 = tpu.memref_slice %arg6[%arg0, %mul3A_37, %dma_start3A_38] : memref<2x10112x128xf32, #tpu.memory_space<hbm>> -> memref<1x632x128xf32, #tpu.memory_space<hbm>>
      %dma_start3A_40 = tpu.memref_squeeze %dma_start3A_39 : memref<1x632x128xf32, #tpu.memory_space<hbm>> -> memref<632x128xf32, #tpu.memory_space<hbm>>
      %dma_start3A_41 = arith.constant 0 : i32
      %dma_start3A_42 = tpu.memref_slice %arg11[%mul3A_35, %dma_start3A_41] : memref<10112x128xf32, #tpu.memory_space<vmem_shared>> -> memref<632x128xf32, #tpu.memory_space<vmem_shared>>
      tpu.enqueue_dma source(%dma_start3A_42 : memref<632x128xf32, #tpu.memory_space<vmem_shared>>) target(%dma_start3A_40 : memref<632x128xf32, #tpu.memory_space<hbm>>) target_semaphore(%run_scoped3A : memref<!tpu.dma_semaphore, #tpu.memory_space<semaphore_mem>>)
      %dma_wait3A_43 = arith.constant 0 : i32
      %dma_wait3A_44 = tpu.memref_slice %arg6[%arg0, %mul3A_37, %dma_wait3A_43] : memref<2x10112x128xf32, #tpu.memory_space<hbm>> -> memref<1x632x128xf32, #tpu.memory_space<hbm>>
      %dma_wait3A_45 = tpu.memref_squeeze %dma_wait3A_44 : memref<1x632x128xf32, #tpu.memory_space<hbm>> -> memref<632x128xf32, #tpu.memory_space<hbm>>
      %dma_wait3A_46 = arith.constant 0 : i32
      %dma_wait3A_47 = tpu.memref_slice %arg11[%mul3A_35, %dma_wait3A_46] : memref<10112x128xf32, #tpu.memory_space<vmem_shared>> -> memref<632x128xf32, #tpu.memory_space<vmem_shared>>
      tpu.wait_dma2 semaphore(%run_scoped3A : memref<!tpu.dma_semaphore, #tpu.memory_space<semaphore_mem>>) src(%dma_wait3A_47 : memref<632x128xf32, #tpu.memory_space<vmem_shared>>) dst(%dma_wait3A_45 : memref<632x128xf32, #tpu.memory_space<hbm>>)
      tpu.yield
    }) : () -> ()
    return
  }
}

#map = affine_map<(d0, d1) -> (0, 0)>
#map1 = affine_map<(d0, d1) -> (0)>
#map2 = affine_map<(d0, d1) -> (0, 0, 0)>
module attributes {stable_mosaic.version = 14 : i64} {
  func.func @_agg_body(%arg0: i32, %arg1: i32, %arg2: memref<10112x128xf32, #tpu.memory_space<hbm>>, %arg3: memref<323584xi32, #tpu.memory_space<hbm>>, %arg4: memref<32x125x80xi32, #tpu.memory_space<hbm>>, %arg5: memref<10112x128xf32, #tpu.memory_space<hbm>>, %arg6: memref<2x10112x128xf32, #tpu.memory_space<hbm>>, %arg7: memref<10112xi32, #tpu.memory_space<vmem>>, %arg8: memref<125x80xi32, #tpu.memory_space<vmem>>, %arg9: memref<80x128xf32, #tpu.memory_space<vmem>>, %arg10: memref<80x128xf32, #tpu.memory_space<vmem>>, %arg11: memref<10112x128xf32, #tpu.memory_space<vmem_shared>>, %arg12: memref<!tpu.dma_semaphore, #tpu.memory_space<semaphore_mem>>, %arg13: memref<!tpu.dma_semaphore, #tpu.memory_space<semaphore_mem>>) attributes {dimension_semantics = [#tpu.dimension_semantics<core_parallel>, #tpu.dimension_semantics<subcore_parallel>], iteration_bounds = array<i64: 2, 16>, scalar_prefetch = 0 : i64, scratch_operands = 7 : i64, tpu.core_type = #tpu.core_type<sc_vector_subcore>, window_params = [{transform_indices = #map}, {transform_indices = #map1}, {transform_indices = #map2}, {transform_indices = #map}, {transform_indices = #map2}]} {
    %mul3A = arith.constant 16 : i32
    %mul3A_0 = arith.muli %arg0, %mul3A : i32
    %add3A = arith.addi %mul3A_0, %arg1 : i32
    %mul3A_1 = arith.constant 10112 : i32
    %mul3A_2 = arith.muli %add3A, %mul3A_1 : i32
    "tpu.region"() ({
      %run_scoped3A = tpu.sem_alloc : memref<!tpu.dma_semaphore, #tpu.memory_space<semaphore_mem>>
      %dma_start3A_38 = tpu.memref_slice %arg3[%mul3A_2] : memref<323584xi32, #tpu.memory_space<hbm>> -> memref<10112xi32, #tpu.memory_space<hbm>>
      %dma_start3A_39 = tpu.memref_slice %arg3[%mul3A_2] : memref<323584xi32, #tpu.memory_space<hbm>> -> memref<10112xi32, #tpu.memory_space<hbm>>
      tpu.enqueue_dma source(%dma_start3A_39 : memref<10112xi32, #tpu.memory_space<hbm>>) target(%arg7 : memref<10112xi32, #tpu.memory_space<vmem>>) target_semaphore(%run_scoped3A : memref<!tpu.dma_semaphore, #tpu.memory_space<semaphore_mem>>)
      %dma_wait3A_40 = tpu.memref_slice %arg3[%mul3A_2] : memref<323584xi32, #tpu.memory_space<hbm>> -> memref<10112xi32, #tpu.memory_space<hbm>>
      %dma_wait3A_41 = tpu.memref_slice %arg3[%mul3A_2] : memref<323584xi32, #tpu.memory_space<hbm>> -> memref<10112xi32, #tpu.memory_space<hbm>>
      tpu.wait_dma2 semaphore(%run_scoped3A : memref<!tpu.dma_semaphore, #tpu.memory_space<semaphore_mem>>) src(%dma_wait3A_41 : memref<10112xi32, #tpu.memory_space<hbm>>) dst(%arg7 : memref<10112xi32, #tpu.memory_space<vmem>>)
      tpu.yield
    }) : () -> ()
    "tpu.region"() ({
      %run_scoped3A = tpu.sem_alloc : memref<!tpu.dma_semaphore, #tpu.memory_space<semaphore_mem>>
      %dma_start3A_38 = arith.constant 0 : i32
      %dma_start3A_39 = arith.constant 0 : i32
      %dma_start3A_40 = tpu.memref_slice %arg4[%add3A, %dma_start3A_38, %dma_start3A_39] : memref<32x125x80xi32, #tpu.memory_space<hbm>> -> memref<1x125x80xi32, #tpu.memory_space<hbm>>
      %dma_start3A_41 = tpu.memref_squeeze %dma_start3A_40 : memref<1x125x80xi32, #tpu.memory_space<hbm>> -> memref<125x80xi32, #tpu.memory_space<hbm>>
      %dma_start3A_42 = arith.constant 0 : i32
      %dma_start3A_43 = arith.constant 0 : i32
      %dma_start3A_44 = tpu.memref_slice %arg4[%add3A, %dma_start3A_42, %dma_start3A_43] : memref<32x125x80xi32, #tpu.memory_space<hbm>> -> memref<1x125x80xi32, #tpu.memory_space<hbm>>
      %dma_start3A_45 = tpu.memref_squeeze %dma_start3A_44 : memref<1x125x80xi32, #tpu.memory_space<hbm>> -> memref<125x80xi32, #tpu.memory_space<hbm>>
      tpu.enqueue_dma source(%dma_start3A_45 : memref<125x80xi32, #tpu.memory_space<hbm>>) target(%arg8 : memref<125x80xi32, #tpu.memory_space<vmem>>) target_semaphore(%run_scoped3A : memref<!tpu.dma_semaphore, #tpu.memory_space<semaphore_mem>>)
      %dma_wait3A_46 = arith.constant 0 : i32
      %dma_wait3A_47 = arith.constant 0 : i32
      %dma_wait3A_48 = tpu.memref_slice %arg4[%add3A, %dma_wait3A_46, %dma_wait3A_47] : memref<32x125x80xi32, #tpu.memory_space<hbm>> -> memref<1x125x80xi32, #tpu.memory_space<hbm>>
      %dma_wait3A_49 = tpu.memref_squeeze %dma_wait3A_48 : memref<1x125x80xi32, #tpu.memory_space<hbm>> -> memref<125x80xi32, #tpu.memory_space<hbm>>
      %dma_wait3A_50 = arith.constant 0 : i32
      %dma_wait3A_51 = arith.constant 0 : i32
      %dma_wait3A_52 = tpu.memref_slice %arg4[%add3A, %dma_wait3A_50, %dma_wait3A_51] : memref<32x125x80xi32, #tpu.memory_space<hbm>> -> memref<1x125x80xi32, #tpu.memory_space<hbm>>
      %dma_wait3A_53 = tpu.memref_squeeze %dma_wait3A_52 : memref<1x125x80xi32, #tpu.memory_space<hbm>> -> memref<125x80xi32, #tpu.memory_space<hbm>>
      tpu.wait_dma2 semaphore(%run_scoped3A : memref<!tpu.dma_semaphore, #tpu.memory_space<semaphore_mem>>) src(%dma_wait3A_53 : memref<125x80xi32, #tpu.memory_space<hbm>>) dst(%arg8 : memref<125x80xi32, #tpu.memory_space<vmem>>)
      tpu.yield
    }) : () -> ()
    %mul3A_3 = arith.constant 632 : i32
    %mul3A_4 = arith.muli %arg1, %mul3A_3 : i32
    %mul3A_5 = arith.constant 632 : i32
    %mul3A_6 = arith.muli %arg1, %mul3A_5 : i32
    "tpu.region"() ({
      %run_scoped3A = tpu.sem_alloc : memref<!tpu.dma_semaphore, #tpu.memory_space<semaphore_mem>>
      %dma_start3A_38 = arith.constant 0 : i32
      %dma_start3A_39 = tpu.memref_slice %arg11[%mul3A_6, %dma_start3A_38] : memref<10112x128xf32, #tpu.memory_space<vmem_shared>> -> memref<632x128xf32, #tpu.memory_space<vmem_shared>>
      %dma_start3A_40 = arith.constant 0 : i32
      %dma_start3A_41 = tpu.memref_slice %arg5[%mul3A_4, %dma_start3A_40] : memref<10112x128xf32, #tpu.memory_space<hbm>> -> memref<632x128xf32, #tpu.memory_space<hbm>>
      tpu.enqueue_dma source(%dma_start3A_41 : memref<632x128xf32, #tpu.memory_space<hbm>>) target(%dma_start3A_39 : memref<632x128xf32, #tpu.memory_space<vmem_shared>>) target_semaphore(%run_scoped3A : memref<!tpu.dma_semaphore, #tpu.memory_space<semaphore_mem>>)
      %dma_wait3A_42 = arith.constant 0 : i32
      %dma_wait3A_43 = tpu.memref_slice %arg11[%mul3A_6, %dma_wait3A_42] : memref<10112x128xf32, #tpu.memory_space<vmem_shared>> -> memref<632x128xf32, #tpu.memory_space<vmem_shared>>
      %dma_wait3A_44 = arith.constant 0 : i32
      %dma_wait3A_45 = tpu.memref_slice %arg5[%mul3A_4, %dma_wait3A_44] : memref<10112x128xf32, #tpu.memory_space<hbm>> -> memref<632x128xf32, #tpu.memory_space<hbm>>
      tpu.wait_dma2 semaphore(%run_scoped3A : memref<!tpu.dma_semaphore, #tpu.memory_space<semaphore_mem>>) src(%dma_wait3A_45 : memref<632x128xf32, #tpu.memory_space<hbm>>) dst(%dma_wait3A_43 : memref<632x128xf32, #tpu.memory_space<vmem_shared>>)
      tpu.yield
    }) : () -> ()
    %barrier3A = arith.constant 0 : index
    tpu.barrier barrier_id(%barrier3A)
    %multiple_of3A = arith.constant 0 : i32
    %multiple_of3A_7 = tpu.assume_multiple %multiple_of3A, 16 : i32
    %dma_start3A = tpu.memref_slice %arg7[%multiple_of3A_7] : memref<10112xi32, #tpu.memory_space<vmem>> -> memref<80xi32, #tpu.memory_space<vmem>>
    %dma_start3A_8 = arith.constant 0 : i32
    %dma_start3A_9 = arith.constant 0 : i32
    %dma_start3A_10 = tpu.memref_slice %arg2[%dma_start3A_8, %dma_start3A_9] : memref<10112x128xf32, #tpu.memory_space<hbm>> -> memref<10112x128xf32, #tpu.memory_space<hbm>>
    tpu.enqueue_indirect_dma source(%dma_start3A_10 : memref<10112x128xf32, #tpu.memory_space<hbm>>) target(%arg9 : memref<80x128xf32, #tpu.memory_space<vmem>>) offsets(%dma_start3A : memref<80xi32, #tpu.memory_space<vmem>>) semaphore(%arg12 : memref<!tpu.dma_semaphore, #tpu.memory_space<semaphore_mem>>)
    %multiple_of3A_11 = arith.constant 80 : i32
    %multiple_of3A_12 = tpu.assume_multiple %multiple_of3A_11, 16 : i32
    %dma_start3A_13 = tpu.memref_slice %arg7[%multiple_of3A_12] : memref<10112xi32, #tpu.memory_space<vmem>> -> memref<80xi32, #tpu.memory_space<vmem>>
    %dma_start3A_14 = arith.constant 0 : i32
    %dma_start3A_15 = arith.constant 0 : i32
    %dma_start3A_16 = tpu.memref_slice %arg2[%dma_start3A_14, %dma_start3A_15] : memref<10112x128xf32, #tpu.memory_space<hbm>> -> memref<10112x128xf32, #tpu.memory_space<hbm>>
    tpu.enqueue_indirect_dma source(%dma_start3A_16 : memref<10112x128xf32, #tpu.memory_space<hbm>>) target(%arg10 : memref<80x128xf32, #tpu.memory_space<vmem>>) offsets(%dma_start3A_13 : memref<80xi32, #tpu.memory_space<vmem>>) semaphore(%arg13 : memref<!tpu.dma_semaphore, #tpu.memory_space<semaphore_mem>>)
    %scan3A = arith.constant 0 : i32
    %scan3A_17 = arith.constant 0 : i32
    %scan3A_18 = arith.constant 125 : i32
    %scan3A_19 = arith.addi %scan3A_17, %scan3A_18 : i32
    %scan3A_20 = arith.constant 1 : i32
    scf.for %scan3A_38 = %scan3A_17 to %scan3A_19 step %scan3A_20  : i32 {
      %add3A_39 = arith.constant 2 : i32
      %add3A_40 = arith.addi %scan3A_38, %add3A_39 : i32
      %min3A = arith.constant 124 : i32
      %min3A_41 = arith.minsi %add3A_40, %min3A : i32
      %rem3A = arith.constant 2 : i32
      %rem3A_42 = arith.remsi %scan3A_38, %rem3A : i32
      %eq3A = arith.constant 0 : i32
      %eq3A_43 = arith.cmpi eq, %rem3A_42, %eq3A : i32
      %convert_element_type3A = arith.extui %eq3A_43 : i1 to i32
      %cond3A = arith.constant 0 : i32
      %cond3A_44 = arith.cmpi ne, %convert_element_type3A, %cond3A : i32
      scf.if %cond3A_44 {
        %multiple_of3A_52 = arith.constant 0 : i32
        %multiple_of3A_53 = tpu.assume_multiple %multiple_of3A_52, 16 : i32
        %dma_wait3A_54 = tpu.memref_slice %arg7[%multiple_of3A_53] : memref<10112xi32, #tpu.memory_space<vmem>> -> memref<80xi32, #tpu.memory_space<vmem>>
        %dma_wait3A_55 = arith.constant 0 : i32
        %dma_wait3A_56 = arith.constant 0 : i32
        %dma_wait3A_57 = tpu.memref_slice %arg2[%dma_wait3A_55, %dma_wait3A_56] : memref<10112x128xf32, #tpu.memory_space<hbm>> -> memref<10112x128xf32, #tpu.memory_space<hbm>>
        tpu.wait_indirect_dma semaphore(%arg12 : memref<!tpu.dma_semaphore, #tpu.memory_space<semaphore_mem>>) src(%dma_wait3A_57 : memref<10112x128xf32, #tpu.memory_space<hbm>>) dst(%arg9 : memref<80x128xf32, #tpu.memory_space<vmem>>)
        "tpu.region"() ({
          %run_scoped3A = tpu.sem_alloc : memref<!tpu.dma_semaphore, #tpu.memory_space<semaphore_mem>>
          %dma_start3A_65 = arith.constant 0 : i32
          %dma_start3A_66 = tpu.memref_slice %arg8[%scan3A_38, %dma_start3A_65] : memref<125x80xi32, #tpu.memory_space<vmem>> -> memref<1x80xi32, #tpu.memory_space<vmem>>
          %dma_start3A_67 = tpu.memref_squeeze %dma_start3A_66 : memref<1x80xi32, #tpu.memory_space<vmem>> -> memref<80xi32, #tpu.memory_space<vmem>>
          %dma_start3A_68 = arith.constant 0 : i32
          %dma_start3A_69 = arith.constant 0 : i32
          %dma_start3A_70 = tpu.memref_slice %arg11[%dma_start3A_68, %dma_start3A_69] : memref<10112x128xf32, #tpu.memory_space<vmem_shared>> -> memref<10112x128xf32, #tpu.memory_space<vmem_shared>>
          tpu.enqueue_indirect_dma source(%arg9 : memref<80x128xf32, #tpu.memory_space<vmem>>) target(%dma_start3A_70 : memref<10112x128xf32, #tpu.memory_space<vmem_shared>>) offsets(%dma_start3A_67 : memref<80xi32, #tpu.memory_space<vmem>>) semaphore(%run_scoped3A : memref<!tpu.dma_semaphore, #tpu.memory_space<semaphore_mem>>) {add = true}
          %dma_wait3A_71 = arith.constant 0 : i32
          %dma_wait3A_72 = tpu.memref_slice %arg8[%scan3A_38, %dma_wait3A_71] : memref<125x80xi32, #tpu.memory_space<vmem>> -> memref<1x80xi32, #tpu.memory_space<vmem>>
          %dma_wait3A_73 = tpu.memref_squeeze %dma_wait3A_72 : memref<1x80xi32, #tpu.memory_space<vmem>> -> memref<80xi32, #tpu.memory_space<vmem>>
          %dma_wait3A_74 = arith.constant 0 : i32
          %dma_wait3A_75 = arith.constant 0 : i32
          %dma_wait3A_76 = tpu.memref_slice %arg11[%dma_wait3A_74, %dma_wait3A_75] : memref<10112x128xf32, #tpu.memory_space<vmem_shared>> -> memref<10112x128xf32, #tpu.memory_space<vmem_shared>>
          tpu.wait_indirect_dma semaphore(%run_scoped3A : memref<!tpu.dma_semaphore, #tpu.memory_space<semaphore_mem>>) src(%arg9 : memref<80x128xf32, #tpu.memory_space<vmem>>) dst(%dma_wait3A_76 : memref<10112x128xf32, #tpu.memory_space<vmem_shared>>)
          tpu.yield
        }) : () -> ()
        %mul3A_58 = arith.constant 80 : i32
        %mul3A_59 = arith.muli %min3A_41, %mul3A_58 : i32
        %multiple_of3A_60 = tpu.assume_multiple %mul3A_59, 16 : i32
        %dma_start3A_61 = tpu.memref_slice %arg7[%multiple_of3A_60] : memref<10112xi32, #tpu.memory_space<vmem>> -> memref<80xi32, #tpu.memory_space<vmem>>
        %dma_start3A_62 = arith.constant 0 : i32
        %dma_start3A_63 = arith.constant 0 : i32
        %dma_start3A_64 = tpu.memref_slice %arg2[%dma_start3A_62, %dma_start3A_63] : memref<10112x128xf32, #tpu.memory_space<hbm>> -> memref<10112x128xf32, #tpu.memory_space<hbm>>
        tpu.enqueue_indirect_dma source(%dma_start3A_64 : memref<10112x128xf32, #tpu.memory_space<hbm>>) target(%arg9 : memref<80x128xf32, #tpu.memory_space<vmem>>) offsets(%dma_start3A_61 : memref<80xi32, #tpu.memory_space<vmem>>) semaphore(%arg12 : memref<!tpu.dma_semaphore, #tpu.memory_space<semaphore_mem>>)
      } else {
      }
      %rem3A_45 = arith.constant 2 : i32
      %rem3A_46 = arith.remsi %scan3A_38, %rem3A_45 : i32
      %eq3A_47 = arith.constant 1 : i32
      %eq3A_48 = arith.cmpi eq, %rem3A_46, %eq3A_47 : i32
      %convert_element_type3A_49 = arith.extui %eq3A_48 : i1 to i32
      %cond3A_50 = arith.constant 0 : i32
      %cond3A_51 = arith.cmpi ne, %convert_element_type3A_49, %cond3A_50 : i32
      scf.if %cond3A_51 {
        %multiple_of3A_52 = arith.constant 0 : i32
        %multiple_of3A_53 = tpu.assume_multiple %multiple_of3A_52, 16 : i32
        %dma_wait3A_54 = tpu.memref_slice %arg7[%multiple_of3A_53] : memref<10112xi32, #tpu.memory_space<vmem>> -> memref<80xi32, #tpu.memory_space<vmem>>
        %dma_wait3A_55 = arith.constant 0 : i32
        %dma_wait3A_56 = arith.constant 0 : i32
        %dma_wait3A_57 = tpu.memref_slice %arg2[%dma_wait3A_55, %dma_wait3A_56] : memref<10112x128xf32, #tpu.memory_space<hbm>> -> memref<10112x128xf32, #tpu.memory_space<hbm>>
        tpu.wait_indirect_dma semaphore(%arg13 : memref<!tpu.dma_semaphore, #tpu.memory_space<semaphore_mem>>) src(%dma_wait3A_57 : memref<10112x128xf32, #tpu.memory_space<hbm>>) dst(%arg10 : memref<80x128xf32, #tpu.memory_space<vmem>>)
        "tpu.region"() ({
          %run_scoped3A = tpu.sem_alloc : memref<!tpu.dma_semaphore, #tpu.memory_space<semaphore_mem>>
          %dma_start3A_65 = arith.constant 0 : i32
          %dma_start3A_66 = tpu.memref_slice %arg8[%scan3A_38, %dma_start3A_65] : memref<125x80xi32, #tpu.memory_space<vmem>> -> memref<1x80xi32, #tpu.memory_space<vmem>>
          %dma_start3A_67 = tpu.memref_squeeze %dma_start3A_66 : memref<1x80xi32, #tpu.memory_space<vmem>> -> memref<80xi32, #tpu.memory_space<vmem>>
          %dma_start3A_68 = arith.constant 0 : i32
          %dma_start3A_69 = arith.constant 0 : i32
          %dma_start3A_70 = tpu.memref_slice %arg11[%dma_start3A_68, %dma_start3A_69] : memref<10112x128xf32, #tpu.memory_space<vmem_shared>> -> memref<10112x128xf32, #tpu.memory_space<vmem_shared>>
          tpu.enqueue_indirect_dma source(%arg10 : memref<80x128xf32, #tpu.memory_space<vmem>>) target(%dma_start3A_70 : memref<10112x128xf32, #tpu.memory_space<vmem_shared>>) offsets(%dma_start3A_67 : memref<80xi32, #tpu.memory_space<vmem>>) semaphore(%run_scoped3A : memref<!tpu.dma_semaphore, #tpu.memory_space<semaphore_mem>>) {add = true}
          %dma_wait3A_71 = arith.constant 0 : i32
          %dma_wait3A_72 = tpu.memref_slice %arg8[%scan3A_38, %dma_wait3A_71] : memref<125x80xi32, #tpu.memory_space<vmem>> -> memref<1x80xi32, #tpu.memory_space<vmem>>
          %dma_wait3A_73 = tpu.memref_squeeze %dma_wait3A_72 : memref<1x80xi32, #tpu.memory_space<vmem>> -> memref<80xi32, #tpu.memory_space<vmem>>
          %dma_wait3A_74 = arith.constant 0 : i32
          %dma_wait3A_75 = arith.constant 0 : i32
          %dma_wait3A_76 = tpu.memref_slice %arg11[%dma_wait3A_74, %dma_wait3A_75] : memref<10112x128xf32, #tpu.memory_space<vmem_shared>> -> memref<10112x128xf32, #tpu.memory_space<vmem_shared>>
          tpu.wait_indirect_dma semaphore(%run_scoped3A : memref<!tpu.dma_semaphore, #tpu.memory_space<semaphore_mem>>) src(%arg10 : memref<80x128xf32, #tpu.memory_space<vmem>>) dst(%dma_wait3A_76 : memref<10112x128xf32, #tpu.memory_space<vmem_shared>>)
          tpu.yield
        }) : () -> ()
        %mul3A_58 = arith.constant 80 : i32
        %mul3A_59 = arith.muli %min3A_41, %mul3A_58 : i32
        %multiple_of3A_60 = tpu.assume_multiple %mul3A_59, 16 : i32
        %dma_start3A_61 = tpu.memref_slice %arg7[%multiple_of3A_60] : memref<10112xi32, #tpu.memory_space<vmem>> -> memref<80xi32, #tpu.memory_space<vmem>>
        %dma_start3A_62 = arith.constant 0 : i32
        %dma_start3A_63 = arith.constant 0 : i32
        %dma_start3A_64 = tpu.memref_slice %arg2[%dma_start3A_62, %dma_start3A_63] : memref<10112x128xf32, #tpu.memory_space<hbm>> -> memref<10112x128xf32, #tpu.memory_space<hbm>>
        tpu.enqueue_indirect_dma source(%dma_start3A_64 : memref<10112x128xf32, #tpu.memory_space<hbm>>) target(%arg10 : memref<80x128xf32, #tpu.memory_space<vmem>>) offsets(%dma_start3A_61 : memref<80xi32, #tpu.memory_space<vmem>>) semaphore(%arg13 : memref<!tpu.dma_semaphore, #tpu.memory_space<semaphore_mem>>)
      } else {
      }
    }
    %scan3A_21 = arith.constant 125 : i32
    %multiple_of3A_22 = arith.constant 0 : i32
    %multiple_of3A_23 = tpu.assume_multiple %multiple_of3A_22, 16 : i32
    %dma_wait3A = tpu.memref_slice %arg7[%multiple_of3A_23] : memref<10112xi32, #tpu.memory_space<vmem>> -> memref<80xi32, #tpu.memory_space<vmem>>
    %dma_wait3A_24 = arith.constant 0 : i32
    %dma_wait3A_25 = arith.constant 0 : i32
    %dma_wait3A_26 = tpu.memref_slice %arg2[%dma_wait3A_24, %dma_wait3A_25] : memref<10112x128xf32, #tpu.memory_space<hbm>> -> memref<10112x128xf32, #tpu.memory_space<hbm>>
    tpu.wait_indirect_dma semaphore(%arg12 : memref<!tpu.dma_semaphore, #tpu.memory_space<semaphore_mem>>) src(%dma_wait3A_26 : memref<10112x128xf32, #tpu.memory_space<hbm>>) dst(%arg9 : memref<80x128xf32, #tpu.memory_space<vmem>>)
    %multiple_of3A_27 = arith.constant 0 : i32
    %multiple_of3A_28 = tpu.assume_multiple %multiple_of3A_27, 16 : i32
    %dma_wait3A_29 = tpu.memref_slice %arg7[%multiple_of3A_28] : memref<10112xi32, #tpu.memory_space<vmem>> -> memref<80xi32, #tpu.memory_space<vmem>>
    %dma_wait3A_30 = arith.constant 0 : i32
    %dma_wait3A_31 = arith.constant 0 : i32
    %dma_wait3A_32 = tpu.memref_slice %arg2[%dma_wait3A_30, %dma_wait3A_31] : memref<10112x128xf32, #tpu.memory_space<hbm>> -> memref<10112x128xf32, #tpu.memory_space<hbm>>
    tpu.wait_indirect_dma semaphore(%arg13 : memref<!tpu.dma_semaphore, #tpu.memory_space<semaphore_mem>>) src(%dma_wait3A_32 : memref<10112x128xf32, #tpu.memory_space<hbm>>) dst(%arg10 : memref<80x128xf32, #tpu.memory_space<vmem>>)
    %barrier3A_33 = arith.constant 0 : index
    tpu.barrier barrier_id(%barrier3A_33)
    %mul3A_34 = arith.constant 632 : i32
    %mul3A_35 = arith.muli %arg1, %mul3A_34 : i32
    %mul3A_36 = arith.constant 632 : i32
    %mul3A_37 = arith.muli %arg1, %mul3A_36 : i32
    "tpu.region"() ({
      %run_scoped3A = tpu.sem_alloc : memref<!tpu.dma_semaphore, #tpu.memory_space<semaphore_mem>>
      %dma_start3A_38 = arith.constant 0 : i32
      %dma_start3A_39 = tpu.memref_slice %arg6[%arg0, %mul3A_37, %dma_start3A_38] : memref<2x10112x128xf32, #tpu.memory_space<hbm>> -> memref<1x632x128xf32, #tpu.memory_space<hbm>>
      %dma_start3A_40 = tpu.memref_squeeze %dma_start3A_39 : memref<1x632x128xf32, #tpu.memory_space<hbm>> -> memref<632x128xf32, #tpu.memory_space<hbm>>
      %dma_start3A_41 = arith.constant 0 : i32
      %dma_start3A_42 = tpu.memref_slice %arg11[%mul3A_35, %dma_start3A_41] : memref<10112x128xf32, #tpu.memory_space<vmem_shared>> -> memref<632x128xf32, #tpu.memory_space<vmem_shared>>
      tpu.enqueue_dma source(%dma_start3A_42 : memref<632x128xf32, #tpu.memory_space<vmem_shared>>) target(%dma_start3A_40 : memref<632x128xf32, #tpu.memory_space<hbm>>) target_semaphore(%run_scoped3A : memref<!tpu.dma_semaphore, #tpu.memory_space<semaphore_mem>>)
      %dma_wait3A_43 = arith.constant 0 : i32
      %dma_wait3A_44 = tpu.memref_slice %arg6[%arg0, %mul3A_37, %dma_wait3A_43] : memref<2x10112x128xf32, #tpu.memory_space<hbm>> -> memref<1x632x128xf32, #tpu.memory_space<hbm>>
      %dma_wait3A_45 = tpu.memref_squeeze %dma_wait3A_44 : memref<1x632x128xf32, #tpu.memory_space<hbm>> -> memref<632x128xf32, #tpu.memory_space<hbm>>
      %dma_wait3A_46 = arith.constant 0 : i32
      %dma_wait3A_47 = tpu.memref_slice %arg11[%mul3A_35, %dma_wait3A_46] : memref<10112x128xf32, #tpu.memory_space<vmem_shared>> -> memref<632x128xf32, #tpu.memory_space<vmem_shared>>
      tpu.wait_dma2 semaphore(%run_scoped3A : memref<!tpu.dma_semaphore, #tpu.memory_space<semaphore_mem>>) src(%dma_wait3A_47 : memref<632x128xf32, #tpu.memory_space<vmem_shared>>) dst(%dma_wait3A_45 : memref<632x128xf32, #tpu.memory_space<hbm>>)
      tpu.yield
    }) : () -> ()
    return
  }
}

module attributes {stable_mosaic.version = 14 : i64} {
  func.func @_prep_body(%arg0: i32, %arg1: memref<1x2x632xf32, #tpu.memory_space<vmem>>, %arg2: memref<632x128xf32, #tpu.memory_space<vmem>>, %arg3: memref<128x64xf32, #tpu.memory_space<vmem>>, %arg4: memref<632x64xf32, #tpu.memory_space<vmem>>, %arg5: memref<632x128xf32, #tpu.memory_space<vmem>>, %arg6: memref<632x1xf32, #tpu.memory_space<vmem>>, %arg7: memref<632x1xf32, #tpu.memory_space<vmem>>) attributes {dimension_semantics = [#tpu.dimension_semantics<arbitrary>], iteration_bounds = array<i64: 16>, scalar_prefetch = 0 : i64, scratch_operands = 0 : i64, tpu.core_type = #tpu.core_type<tc>, window_params = [{transform_indices = @transform_0, window_bounds = array<i64: 1, 2, 632>}, {transform_indices = @transform_1, window_bounds = array<i64: 632, 128>}, {pipeline_mode = #tpu.pipeline_mode<synchronous>, transform_indices = @transform_2, window_bounds = array<i64: 128, 64>}, {transform_indices = @transform_3, window_bounds = array<i64: 632, 64>}, {transform_indices = @transform_4, window_bounds = array<i64: 632, 128>}, {transform_indices = @transform_5, window_bounds = array<i64: 632, 1>}, {transform_indices = @transform_6, window_bounds = array<i64: 632, 1>}]} {
    %get3A = arith.constant 0 : index
    %get3A_0 = arith.constant 0 : index
    %get3A_1 = arith.constant 0 : index
    %get3A_2 = vector.load %arg1[%get3A, %get3A_0, %get3A_1] : memref<1x2x632xf32, #tpu.memory_space<vmem>>, vector<1x1x632xf32>
    %get3A_3 = vector.shape_cast %get3A_2 : vector<1x1x632xf32> to vector<632xf32>
    %get3A_4 = arith.constant 0 : index
    %get3A_5 = arith.constant 1 : index
    %get3A_6 = arith.constant 0 : index
    %get3A_7 = vector.load %arg1[%get3A_4, %get3A_5, %get3A_6] : memref<1x2x632xf32, #tpu.memory_space<vmem>>, vector<1x1x632xf32>
    %get3A_8 = vector.shape_cast %get3A_7 : vector<1x1x632xf32> to vector<632xf32>
    %add3A = arith.addf %get3A_3, %get3A_8 : vector<632xf32>
    %add3A_9 = arith.constant 1.000000e+00 : f32
    %add3A_10 = vector.broadcast %add3A_9 : f32 to vector<632xf32>
    %add3A_11 = arith.addf %add3A, %add3A_10 : vector<632xf32>
    %div3A = arith.constant 1.000000e+00 : f32
    %div3A_12 = vector.broadcast %div3A : f32 to vector<632xf32>
    %div3A_13 = arith.divf %div3A_12, %add3A_11 : vector<632xf32>
    %rsqrt3A = math.rsqrt %add3A_11 : vector<632xf32>
    %get3A_14 = arith.constant 0 : index
    %get3A_15 = arith.constant 0 : index
    %get3A_16 = vector.load %arg2[%get3A_14, %get3A_15] : memref<632x128xf32, #tpu.memory_space<vmem>>, vector<632x128xf32>
    %get3A_17 = arith.constant 0 : index
    %get3A_18 = arith.constant 0 : index
    %get3A_19 = vector.load %arg3[%get3A_17, %get3A_18] : memref<128x64xf32, #tpu.memory_space<vmem>>, vector<128x64xf32>
    %dot_general3A = arith.constant dense<0.000000e+00> : vector<632x64xf32>
    %dot_general3A_20 = tpu.matmul %get3A_16, %get3A_19, %dot_general3A {dimension_numbers = #tpu.dot_dimension_numbers<[1], [0], [0], [1], [0, 0, 1, 1], [], []>, transpose_lhs_hint = false} : vector<632x128xf32>, vector<128x64xf32>, vector<632x64xf32> -> vector<632x64xf32>
    %swap3A = arith.constant 0 : index
    %swap3A_21 = arith.constant 0 : index
    %swap3A_22 = vector.load %arg4[%swap3A, %swap3A_21] : memref<632x64xf32, #tpu.memory_space<vmem>>, vector<632x64xf32>
    tpu.vector_store %arg4[%swap3A, %swap3A_21], %dot_general3A_20 {strides = array<i32>} : memref<632x64xf32, #tpu.memory_space<vmem>>, vector<632x64xf32>,
    %broadcast_in_dim3A = vector.shape_cast %rsqrt3A : vector<632xf32> to vector<632x1xf32>
    %mul3A = vector.broadcast %broadcast_in_dim3A : vector<632x1xf32> to vector<632x64xf32>
    %mul3A_23 = arith.mulf %dot_general3A_20, %mul3A : vector<632x64xf32>
    %jit3A = arith.constant 0 : i32
    %convert_element_type3A = arith.sitofp %jit3A : i32 to f32
    %pad3A = vector.broadcast %convert_element_type3A : f32 to vector<632x64xf32>
    %pad3A_24 = tpu.concatenate %mul3A_23, %pad3A in 1 : vector<632x64xf32>, vector<632x64xf32> -> vector<632x128xf32>
    %swap3A_25 = arith.constant 0 : index
    %swap3A_26 = arith.constant 0 : index
    %swap3A_27 = vector.load %arg5[%swap3A_25, %swap3A_26] : memref<632x128xf32, #tpu.memory_space<vmem>>, vector<632x128xf32>
    tpu.vector_store %arg5[%swap3A_25, %swap3A_26], %pad3A_24 {strides = array<i32>} : memref<632x128xf32, #tpu.memory_space<vmem>>, vector<632x128xf32>,
    %broadcast_in_dim3A_28 = vector.shape_cast %rsqrt3A : vector<632xf32> to vector<632x1xf32>
    %swap3A_29 = arith.constant 0 : index
    %swap3A_30 = arith.constant 0 : index
    %swap3A_31 = vector.load %arg6[%swap3A_29, %swap3A_30] : memref<632x1xf32, #tpu.memory_space<vmem>>, vector<632x1xf32>
    tpu.vector_store %arg6[%swap3A_29, %swap3A_30], %broadcast_in_dim3A_28 {strides = array<i32>} : memref<632x1xf32, #tpu.memory_space<vmem>>, vector<632x1xf32>,
    %broadcast_in_dim3A_32 = vector.shape_cast %div3A_13 : vector<632xf32> to vector<632x1xf32>
    %swap3A_33 = arith.constant 0 : index
    %swap3A_34 = arith.constant 0 : index
    %swap3A_35 = vector.load %arg7[%swap3A_33, %swap3A_34] : memref<632x1xf32, #tpu.memory_space<vmem>>, vector<632x1xf32>
    tpu.vector_store %arg7[%swap3A_33, %swap3A_34], %broadcast_in_dim3A_32 {strides = array<i32>} : memref<632x1xf32, #tpu.memory_space<vmem>>, vector<632x1xf32>,
    return
  }
  func.func @transform_0(%arg0: i32) -> (i32, i32, i32) {
    %c0_i32 = arith.constant 0 : i32
    %c0_i32_0 = arith.constant 0 : i32
    %c0_i32_1 = arith.constant 0 : i32
    return %arg0, %c0_i32, %c0_i32_0 : i32, i32, i32
  }
  func.func @transform_1(%arg0: i32) -> (i32, i32) {
    %c0_i32 = arith.constant 0 : i32
    %c0_i32_0 = arith.constant 0 : i32
    return %arg0, %c0_i32 : i32, i32
  }
  func.func @transform_2(%arg0: i32) -> (i32, i32) {
    %c0_i32 = arith.constant 0 : i32
    %c0_i32_0 = arith.constant 0 : i32
    %c0_i32_1 = arith.constant 0 : i32
    return %c0_i32, %c0_i32_0 : i32, i32
  }
  func.func @transform_3(%arg0: i32) -> (i32, i32) {
    %c0_i32 = arith.constant 0 : i32
    %c0_i32_0 = arith.constant 0 : i32
    return %arg0, %c0_i32 : i32, i32
  }
  func.func @transform_4(%arg0: i32) -> (i32, i32) {
    %c0_i32 = arith.constant 0 : i32
    %c0_i32_0 = arith.constant 0 : i32
    return %arg0, %c0_i32 : i32, i32
  }
  func.func @transform_5(%arg0: i32) -> (i32, i32) {
    %c0_i32 = arith.constant 0 : i32
    %c0_i32_0 = arith.constant 0 : i32
    return %arg0, %c0_i32 : i32, i32
  }
  func.func @transform_6(%arg0: i32) -> (i32, i32) {
    %c0_i32 = arith.constant 0 : i32
    %c0_i32_0 = arith.constant 0 : i32
    return %arg0, %c0_i32 : i32, i32
  }
}

module attributes {stable_mosaic.version = 14 : i64} {
  func.func @_mid_body(%arg0: i32, %arg1: memref<2x632x128xf32, #tpu.memory_space<vmem>>, %arg2: memref<632x64xf32, #tpu.memory_space<vmem>>, %arg3: memref<632x1xf32, #tpu.memory_space<vmem>>, %arg4: memref<632x1xf32, #tpu.memory_space<vmem>>, %arg5: memref<1x64xf32, #tpu.memory_space<vmem>>, %arg6: memref<64x64xf32, #tpu.memory_space<vmem>>, %arg7: memref<632x64xf32, #tpu.memory_space<vmem>>, %arg8: memref<632x128xf32, #tpu.memory_space<vmem>>) attributes {dimension_semantics = [#tpu.dimension_semantics<arbitrary>], iteration_bounds = array<i64: 16>, scalar_prefetch = 0 : i64, scratch_operands = 0 : i64, tpu.core_type = #tpu.core_type<tc>, window_params = [{transform_indices = @transform_0, window_bounds = array<i64: 2, 632, 128>}, {transform_indices = @transform_1, window_bounds = array<i64: 632, 64>}, {transform_indices = @transform_2, window_bounds = array<i64: 632, 1>}, {transform_indices = @transform_3, window_bounds = array<i64: 632, 1>}, {pipeline_mode = #tpu.pipeline_mode<synchronous>, transform_indices = @transform_4, window_bounds = array<i64: 1, 64>}, {pipeline_mode = #tpu.pipeline_mode<synchronous>, transform_indices = @transform_5, window_bounds = array<i64: 64, 64>}, {transform_indices = @transform_6, window_bounds = array<i64: 632, 64>}, {transform_indices = @transform_7, window_bounds = array<i64: 632, 128>}]} {
    %get3A = arith.constant 0 : index
    %get3A_0 = arith.constant 0 : index
    %get3A_1 = arith.constant 0 : index
    %get3A_2 = vector.load %arg1[%get3A, %get3A_0, %get3A_1] : memref<2x632x128xf32, #tpu.memory_space<vmem>>, vector<1x632x64xf32>
    %get3A_3 = vector.shape_cast %get3A_2 : vector<1x632x64xf32> to vector<632x64xf32>
    %get3A_4 = arith.constant 1 : index
    %get3A_5 = arith.constant 0 : index
    %get3A_6 = arith.constant 0 : index
    %get3A_7 = vector.load %arg1[%get3A_4, %get3A_5, %get3A_6] : memref<2x632x128xf32, #tpu.memory_space<vmem>>, vector<1x632x64xf32>
    %get3A_8 = vector.shape_cast %get3A_7 : vector<1x632x64xf32> to vector<632x64xf32>
    %add3A = arith.addf %get3A_3, %get3A_8 : vector<632x64xf32>
    %get3A_9 = arith.constant 0 : index
    %get3A_10 = arith.constant 0 : index
    %get3A_11 = vector.load %arg3[%get3A_9, %get3A_10] : memref<632x1xf32, #tpu.memory_space<vmem>>, vector<632x1xf32>
    %mul3A = vector.broadcast %get3A_11 : vector<632x1xf32> to vector<632x64xf32>
    %mul3A_12 = arith.mulf %mul3A, %add3A : vector<632x64xf32>
    %get3A_13 = arith.constant 0 : index
    %get3A_14 = arith.constant 0 : index
    %get3A_15 = vector.load %arg2[%get3A_13, %get3A_14] : memref<632x64xf32, #tpu.memory_space<vmem>>, vector<632x64xf32>
    %get3A_16 = arith.constant 0 : index
    %get3A_17 = arith.constant 0 : index
    %get3A_18 = vector.load %arg4[%get3A_16, %get3A_17] : memref<632x1xf32, #tpu.memory_space<vmem>>, vector<632x1xf32>
    %mul3A_19 = vector.broadcast %get3A_18 : vector<632x1xf32> to vector<632x64xf32>
    %mul3A_20 = arith.mulf %get3A_15, %mul3A_19 : vector<632x64xf32>
    %add3A_21 = arith.addf %mul3A_12, %mul3A_20 : vector<632x64xf32>
    %get3A_22 = arith.constant 0 : index
    %get3A_23 = arith.constant 0 : index
    %get3A_24 = vector.load %arg5[%get3A_22, %get3A_23] : memref<1x64xf32, #tpu.memory_space<vmem>>, vector<1x64xf32>
    %add3A_25 = vector.broadcast %get3A_24 : vector<1x64xf32> to vector<632x64xf32>
    %add3A_26 = arith.addf %add3A_21, %add3A_25 : vector<632x64xf32>
    %max3A = arith.constant 0.000000e+00 : f32
    %max3A_27 = vector.broadcast %max3A : f32 to vector<632x64xf32>
    %max3A_28 = arith.maximumf %add3A_26, %max3A_27 : vector<632x64xf32>
    %get3A_29 = arith.constant 0 : index
    %get3A_30 = arith.constant 0 : index
    %get3A_31 = vector.load %arg6[%get3A_29, %get3A_30] : memref<64x64xf32, #tpu.memory_space<vmem>>, vector<64x64xf32>
    %dot_general3A = arith.constant dense<0.000000e+00> : vector<632x64xf32>
    %dot_general3A_32 = tpu.matmul %max3A_28, %get3A_31, %dot_general3A {dimension_numbers = #tpu.dot_dimension_numbers<[1], [0], [0], [1], [0, 0, 1, 1], [], []>, transpose_lhs_hint = false} : vector<632x64xf32>, vector<64x64xf32>, vector<632x64xf32> -> vector<632x64xf32>
    %swap3A = arith.constant 0 : index
    %swap3A_33 = arith.constant 0 : index
    %swap3A_34 = vector.load %arg7[%swap3A, %swap3A_33] : memref<632x64xf32, #tpu.memory_space<vmem>>, vector<632x64xf32>
    tpu.vector_store %arg7[%swap3A, %swap3A_33], %dot_general3A_32 {strides = array<i32>} : memref<632x64xf32, #tpu.memory_space<vmem>>, vector<632x64xf32>,
    %get3A_35 = arith.constant 0 : index
    %get3A_36 = arith.constant 0 : index
    %get3A_37 = vector.load %arg3[%get3A_35, %get3A_36] : memref<632x1xf32, #tpu.memory_space<vmem>>, vector<632x1xf32>
    %mul3A_38 = vector.broadcast %get3A_37 : vector<632x1xf32> to vector<632x64xf32>
    %mul3A_39 = arith.mulf %dot_general3A_32, %mul3A_38 : vector<632x64xf32>
    %jit3A = arith.constant 0 : i32
    %convert_element_type3A = arith.sitofp %jit3A : i32 to f32
    %pad3A = vector.broadcast %convert_element_type3A : f32 to vector<632x64xf32>
    %pad3A_40 = tpu.concatenate %mul3A_39, %pad3A in 1 : vector<632x64xf32>, vector<632x64xf32> -> vector<632x128xf32>
    %swap3A_41 = arith.constant 0 : index
    %swap3A_42 = arith.constant 0 : index
    %swap3A_43 = vector.load %arg8[%swap3A_41, %swap3A_42] : memref<632x128xf32, #tpu.memory_space<vmem>>, vector<632x128xf32>
    tpu.vector_store %arg8[%swap3A_41, %swap3A_42], %pad3A_40 {strides = array<i32>} : memref<632x128xf32, #tpu.memory_space<vmem>>, vector<632x128xf32>,
    return
  }
  func.func @transform_0(%arg0: i32) -> (i32, i32, i32) {
    %c0_i32 = arith.constant 0 : i32
    %c0_i32_0 = arith.constant 0 : i32
    %c0_i32_1 = arith.constant 0 : i32
    return %c0_i32, %arg0, %c0_i32_0 : i32, i32, i32
  }
  func.func @transform_1(%arg0: i32) -> (i32, i32) {
    %c0_i32 = arith.constant 0 : i32
    %c0_i32_0 = arith.constant 0 : i32
    return %arg0, %c0_i32 : i32, i32
  }
  func.func @transform_2(%arg0: i32) -> (i32, i32) {
    %c0_i32 = arith.constant 0 : i32
    %c0_i32_0 = arith.constant 0 : i32
    return %arg0, %c0_i32 : i32, i32
  }
  func.func @transform_3(%arg0: i32) -> (i32, i32) {
    %c0_i32 = arith.constant 0 : i32
    %c0_i32_0 = arith.constant 0 : i32
    return %arg0, %c0_i32 : i32, i32
  }
  func.func @transform_4(%arg0: i32) -> (i32, i32) {
    %c0_i32 = arith.constant 0 : i32
    %c0_i32_0 = arith.constant 0 : i32
    %c0_i32_1 = arith.constant 0 : i32
    return %c0_i32, %c0_i32_0 : i32, i32
  }
  func.func @transform_5(%arg0: i32) -> (i32, i32) {
    %c0_i32 = arith.constant 0 : i32
    %c0_i32_0 = arith.constant 0 : i32
    %c0_i32_1 = arith.constant 0 : i32
    return %c0_i32, %c0_i32_0 : i32, i32
  }
  func.func @transform_6(%arg0: i32) -> (i32, i32) {
    %c0_i32 = arith.constant 0 : i32
    %c0_i32_0 = arith.constant 0 : i32
    return %arg0, %c0_i32 : i32, i32
  }
  func.func @transform_7(%arg0: i32) -> (i32, i32) {
    %c0_i32 = arith.constant 0 : i32
    %c0_i32_0 = arith.constant 0 : i32
    return %arg0, %c0_i32 : i32, i32
  }
}

module attributes {stable_mosaic.version = 14 : i64} {
  func.func @_fin_body(%arg0: i32, %arg1: memref<2x632x128xf32, #tpu.memory_space<vmem>>, %arg2: memref<632x64xf32, #tpu.memory_space<vmem>>, %arg3: memref<632x1xf32, #tpu.memory_space<vmem>>, %arg4: memref<632x1xf32, #tpu.memory_space<vmem>>, %arg5: memref<1x64xf32, #tpu.memory_space<vmem>>, %arg6: memref<632x64xf32, #tpu.memory_space<vmem>>) attributes {dimension_semantics = [#tpu.dimension_semantics<arbitrary>], iteration_bounds = array<i64: 16>, scalar_prefetch = 0 : i64, scratch_operands = 0 : i64, tpu.core_type = #tpu.core_type<tc>, window_params = [{transform_indices = @transform_0, window_bounds = array<i64: 2, 632, 128>}, {transform_indices = @transform_1, window_bounds = array<i64: 632, 64>}, {transform_indices = @transform_2, window_bounds = array<i64: 632, 1>}, {transform_indices = @transform_3, window_bounds = array<i64: 632, 1>}, {pipeline_mode = #tpu.pipeline_mode<synchronous>, transform_indices = @transform_4, window_bounds = array<i64: 1, 64>}, {transform_indices = @transform_5, window_bounds = array<i64: 632, 64>}]} {
    %get3A = arith.constant 0 : index
    %get3A_0 = arith.constant 0 : index
    %get3A_1 = arith.constant 0 : index
    %get3A_2 = vector.load %arg1[%get3A, %get3A_0, %get3A_1] : memref<2x632x128xf32, #tpu.memory_space<vmem>>, vector<1x632x64xf32>
    %get3A_3 = vector.shape_cast %get3A_2 : vector<1x632x64xf32> to vector<632x64xf32>
    %get3A_4 = arith.constant 1 : index
    %get3A_5 = arith.constant 0 : index
    %get3A_6 = arith.constant 0 : index
    %get3A_7 = vector.load %arg1[%get3A_4, %get3A_5, %get3A_6] : memref<2x632x128xf32, #tpu.memory_space<vmem>>, vector<1x632x64xf32>
    %get3A_8 = vector.shape_cast %get3A_7 : vector<1x632x64xf32> to vector<632x64xf32>
    %add3A = arith.addf %get3A_3, %get3A_8 : vector<632x64xf32>
    %get3A_9 = arith.constant 0 : index
    %get3A_10 = arith.constant 0 : index
    %get3A_11 = vector.load %arg3[%get3A_9, %get3A_10] : memref<632x1xf32, #tpu.memory_space<vmem>>, vector<632x1xf32>
    %mul3A = vector.broadcast %get3A_11 : vector<632x1xf32> to vector<632x64xf32>
    %mul3A_12 = arith.mulf %mul3A, %add3A : vector<632x64xf32>
    %get3A_13 = arith.constant 0 : index
    %get3A_14 = arith.constant 0 : index
    %get3A_15 = vector.load %arg2[%get3A_13, %get3A_14] : memref<632x64xf32, #tpu.memory_space<vmem>>, vector<632x64xf32>
    %get3A_16 = arith.constant 0 : index
    %get3A_17 = arith.constant 0 : index
    %get3A_18 = vector.load %arg4[%get3A_16, %get3A_17] : memref<632x1xf32, #tpu.memory_space<vmem>>, vector<632x1xf32>
    %mul3A_19 = vector.broadcast %get3A_18 : vector<632x1xf32> to vector<632x64xf32>
    %mul3A_20 = arith.mulf %get3A_15, %mul3A_19 : vector<632x64xf32>
    %add3A_21 = arith.addf %mul3A_12, %mul3A_20 : vector<632x64xf32>
    %get3A_22 = arith.constant 0 : index
    %get3A_23 = arith.constant 0 : index
    %get3A_24 = vector.load %arg5[%get3A_22, %get3A_23] : memref<1x64xf32, #tpu.memory_space<vmem>>, vector<1x64xf32>
    %add3A_25 = vector.broadcast %get3A_24 : vector<1x64xf32> to vector<632x64xf32>
    %add3A_26 = arith.addf %add3A_21, %add3A_25 : vector<632x64xf32>
    %swap3A = arith.constant 0 : index
    %swap3A_27 = arith.constant 0 : index
    %swap3A_28 = vector.load %arg6[%swap3A, %swap3A_27] : memref<632x64xf32, #tpu.memory_space<vmem>>, vector<632x64xf32>
    tpu.vector_store %arg6[%swap3A, %swap3A_27], %add3A_26 {strides = array<i32>} : memref<632x64xf32, #tpu.memory_space<vmem>>, vector<632x64xf32>,
    return
  }
  func.func @transform_0(%arg0: i32) -> (i32, i32, i32) {
    %c0_i32 = arith.constant 0 : i32
    %c0_i32_0 = arith.constant 0 : i32
    %c0_i32_1 = arith.constant 0 : i32
    return %c0_i32, %arg0, %c0_i32_0 : i32, i32, i32
  }
  func.func @transform_1(%arg0: i32) -> (i32, i32) {
    %c0_i32 = arith.constant 0 : i32
    %c0_i32_0 = arith.constant 0 : i32
    return %arg0, %c0_i32 : i32, i32
  }
  func.func @transform_2(%arg0: i32) -> (i32, i32) {
    %c0_i32 = arith.constant 0 : i32
    %c0_i32_0 = arith.constant 0 : i32
    return %arg0, %c0_i32 : i32, i32
  }
  func.func @transform_3(%arg0: i32) -> (i32, i32) {
    %c0_i32 = arith.constant 0 : i32
    %c0_i32_0 = arith.constant 0 : i32
    return %arg0, %c0_i32 : i32, i32
  }
  func.func @transform_4(%arg0: i32) -> (i32, i32) {
    %c0_i32 = arith.constant 0 : i32
    %c0_i32_0 = arith.constant 0 : i32
    %c0_i32_1 = arith.constant 0 : i32
    return %c0_i32, %c0_i32_0 : i32, i32
  }
  func.func @transform_5(%arg0: i32) -> (i32, i32) {
    %c0_i32 = arith.constant 0 : i32
    %c0_i32_0 = arith.constant 0 : i32
    return %arg0, %c0_i32 : i32, i32
  }
}

</mosaic_0001>

<sc_bundles>
// kernel: kernel.11.cloned.1.call-start
scs
__scs_entry_jumppad:
0x0: {  	(pc) =	sbr.rel $0x88, $3  }
0x1: {  	(tag) =	ssettag $0x0;
	lr =	simm.s32 $0x1  }
0x2: {  	[smem:$0x3F9B] =	sst lr;
	_ =	strace $0xD0000000  }
0x3: {  	_ = 	snop  }
0x4: {  	_ = 	snop  }
0x5: {  	_ = 	snop  }
0x6: {  	_ = 	snop  }
0x7: {  	_ = 	snop  }
__scs_overlays_trampoline_lowered:
0x8: {  	[smem:$0x3FAA] =	sst s0  }
0x9: {  	[smem:$0x3FAB] =	sst s1  }
0xa: {  	[smem:$0x3FAC] =	sst s2  }
0xb: {  	[smem:$0x3FAD] =	sst s3  }
0xc: {  	[smem:$0x3FAE] =	sst s4  }
0xd: {  	[smem:$0x3FAF] =	sst s5  }
0xe: {  	[smem:$0x3FB0] =	sst s6  }
0xf: {  	[smem:$0x3FB1] =	sst s7  }
0x10: {  	[smem:$0x3FB2] =	sst s8  }
0x11: {  	[smem:$0x3FB3] =	sst s9;
	s0 =	simm.s32 @!p0 $0x0  }
0x12: {  	s1 =	sld [smem:$0x3F99];
	s0 =	simm.s32 @p0 $0x1  }
0x13: {  	[smem:$0x3FB4] =	sst s0;
	s0 =	simm.s32 @!p1 $0x0  }
0x14: {  	s2 =	sld [smem:$0x3F98];
	s0 =	simm.s32 @p1 $0x1  }
0x15: {  	[smem:$0x3FB5] =	sst s0;
	s0 =	simm.s32 @!p2 $0x0  }
0x16: {  	s3 =	sld [smem:$0x3FDB];
	s0 =	simm.s32 @p2 $0x1  }
0x17: {  	s4 =	simm.s32 $0x1BF5;
	[smem:$0x3FB7] =	sst s0  }
0x18: {  	s0 =	sld [smem:$0x3F9A];
	_ =	swait.ge [sflag:s4], $0x0  }
0x19: {  	s7 =	sld [smem:$0x3F9B]  }
0x1a: {  	s8 =	sadd.s32 $0xFFFFE003, lr  }
0x1b: {  	s9 =	sadd.s32 $0xFFFFFEF7, lr;
	s5 =	simm.s32 $0xFFFFFFFF;
	p2 =	slt.u32 s8, $0xFFFFF086  }
0x1c: {  	p1 =	slt.u32 s9, $0xF7A;
	s5 =	simm.s32 @!p2 $0x0  }
0x1d: {  	s5 =	simm.s32 @p1 $0x1;
	p0 =	seq.s32 s7, s2  }
0x1e: {  	s7 =	smul.u32 @!p0 $0xF7A, s2;
	p2 =	seq.s32 @!p0 s5, $0x0  }
0x1f: {  	s9 =	smul.u32 $0xF7A, s1;
	s8 =	simm.s32 @!p0 $0x1BF5;
	p2 =	por !p2, p0  }
0x20: {  	[sflag:s8] =	ssyncset.s32 @!p0 $0xFFFFF086;
	s6 =	sadd.s32 @!p0 s3, s7;
	s7 =	simm.s32 @!p0 $0x108  }
0x21: {  	s3 =	sadd.s32 s3, s9;
	s6 =	sadd.s32 @!p0 $0x88, s6;
	s7 =	simm.s32 @p2 $0x1082  }
0x22: {  	[simem:s7], [sflag:s8] =	dma.local @!p0 [hbm:s6], $0xF7A  }
0x23: {  	s9 =	sor.u32 $0xD0000000, s2;
	s6 =	simm.s32 $0x108;
	_ =	swait.ge @!p0 [sflag:s8], $0x0  }
0x24: {  	s3 =	sadd.s32 $0x88, s3;
	s6 =	simm.s32 @!p1 $0x1082;
	[sflag:s4] =	ssyncset.s32 $0xFFFFF086  }
0x25: {  	[simem:s6], [sflag:s4] =	dma.local [hbm:s3], $0xF7A  }
0x26: {  	[smem:$0x3F9B] =	sst s1;
	(tag) =	ssettag s2;
	_ =	strace s9  }
0x27: {  	s1 =	sld [smem:$0x3FAB]  }
0x28: {  	s2 =	sld [smem:$0x3FAC]  }
0x29: {  	s4 =	sld [smem:$0x3FAE]  }
0x2a: {  	p0 =	seq.s32 s5, $0x0;
	s5 =	sld [smem:$0x3FAF]  }
0x2b: {  	s6 =	sld [smem:$0x3FB0]  }
0x2c: {  	s7 =	sld [smem:$0x3FB1]  }
0x2d: {  	s3 =	simm.s32 $0x108;
	s8 =	sld [smem:$0x3FB2]  }
0x2e: {  	s3 =	simm.s32 @!p0 $0x1082;
	s9 =	sld [smem:$0x3FB3]  }
0x2f: {  	lr =	sadd.s32 s0, s3;
	s0 =	sld [smem:$0x3FAA]  }
0x30: {  	s3 =	sld [smem:$0x3FAD]  }
0x31: {  	[smem:$0x3FB6] =	sst s10  }
0x32: {  	s10 =	sld [smem:$0x3FB4];
	_ =	sdelay $0x3  }
0x33: {  	p0 =	seq.s32 s10, $0x1;
	s10 =	sld [smem:$0x3FB6];
	_ =	sdelay $0x3  }
0x34: {  	[smem:$0x3FB6] =	sst s10  }
0x35: {  	s10 =	sld [smem:$0x3FB5];
	_ =	sdelay $0x3  }
0x36: {  	p1 =	seq.s32 s10, $0x1;
	s10 =	sld [smem:$0x3FB6];
	_ =	sdelay $0x3  }
0x37: {  	[smem:$0x3FB6] =	sst s10  }
0x38: {  	s10 =	sld [smem:$0x3FB7]  }
0x39: {  	_ = 	snop;
	(pc) =	sbr.ind lr, $3  }
0x3a: {  	_ = 	snop  }
0x3b: {  	_ = 	snop  }
0x3c: {  	p2 =	seq.s32 s10, $0x1;
	s10 =	sld [smem:$0x3FB6]  }
0x3d: {  	_ =	shalt  }
0x3e: {  	_ =	shalt  }
0x3f: {  	_ =	shalt  }
0x40: {  	_ =	shalt  }
0x41: {  	_ =	shalt  }
0x42: {  	_ =	shalt  }
0x43: {  	_ =	shalt  }
0x44: {  	_ =	shalt  }
0x45: {  	_ =	shalt  }
0x46: {  	_ =	shalt  }
0x47: {  	_ =	shalt  }
0x48: {  	_ =	shalt  }
0x49: {  	_ =	shalt  }
0x4a: {  	_ =	shalt  }
0x4b: {  	_ =	shalt  }
0x4c: {  	_ =	shalt  }
0x4d: {  	_ =	shalt  }
0x4e: {  	_ =	shalt  }
0x4f: {  	_ =	shalt  }
0x50: {  	_ =	shalt  }
0x51: {  	_ =	shalt  }
0x52: {  	_ =	shalt  }
0x53: {  	_ =	shalt  }
0x54: {  	_ =	shalt  }
0x55: {  	_ =	shalt  }
0x56: {  	_ =	shalt  }
0x57: {  	_ =	shalt  }
0x58: {  	_ =	shalt  }
0x59: {  	_ =	shalt  }
0x5a: {  	_ =	shalt  }
0x5b: {  	_ =	shalt  }
0x5c: {  	_ =	shalt  }
0x5d: {  	_ =	shalt  }
0x5e: {  	_ =	shalt  }
0x5f: {  	_ =	shalt  }
0x60: {  	_ =	shalt  }
0x61: {  	_ =	shalt  }
0x62: {  	_ =	shalt  }
0x63: {  	_ =	shalt  }
0x64: {  	_ =	shalt  }
0x65: {  	_ =	shalt  }
0x66: {  	_ =	shalt  }
0x67: {  	_ =	shalt  }
0x68: {  	_ =	shalt  }
0x69: {  	_ =	shalt  }
0x6a: {  	_ =	shalt  }
0x6b: {  	_ =	shalt  }
0x6c: {  	_ =	shalt  }
0x6d: {  	_ =	shalt  }
0x6e: {  	_ =	shalt  }
0x6f: {  	_ =	shalt  }
0x70: {  	_ =	shalt  }
0x71: {  	_ =	shalt  }
0x72: {  	_ =	shalt  }
0x73: {  	_ =	shalt  }
0x74: {  	_ =	shalt  }
0x75: {  	_ =	shalt  }
0x76: {  	_ =	shalt  }
0x77: {  	_ =	shalt  }
0x78: {  	_ =	shalt  }
0x79: {  	_ =	shalt  }
0x7a: {  	_ =	shalt  }
0x7b: {  	_ =	shalt  }
0x7c: {  	_ =	shalt  }
0x7d: {  	_ =	shalt  }
0x7e: {  	_ =	shalt  }
0x7f: {  	_ =	shalt  }
0x80: {  	_ =	shalt  }
0x81: {  	_ =	shalt  }
0x82: {  	_ =	shalt  }
0x83: {  	_ =	shalt  }
0x84: {  	_ =	shalt  }
0x85: {  	_ =	shalt  }
0x86: {  	_ =	shalt  }
0x87: {  	_ =	shalt  }
.Lfunc_end0:
.L_simem_size_0:
called_computation.1_lowered:
.L_overlay_start_0:
0x88: {  	s2 =	sld [smem:$0x3FD9]  }
0x89: {  	s3 =	sld [smem:$0x3FFE];
	_ =	sdelay $0x1  }
0x8a: {  	s1 =	srdreg.scid  }
0x8b: {  	s0 =	sand.u32 $0x1, s1  }
0x8c: {  	s17 =	sshll.u32 s0, $0xA;
	s2 =	sadd.s32 s3, s2  }
0x8d: {  	s2 =	sadd.s32 s2, s17  }
0x8e: {  	[smem:$0x3FC2] =	sst s2  }
0x8f: {  	_ = 	snop  }
0x90: {  	s2 =	sld [smem:$0x3FD0];
	(tm) =	ssettm $0x1  }
0x91: {  	s18 =	sld [smem:$0x3FFB];
	_ =	sdelay $0x3  }
0x92: {  	_ =	strace s18  }
0x93: {  	s3 =	sld [smem:$0x3FFC];
	_ =	sdelay $0x3  }
0x94: {  	_ =	strace s3  }
0x95: {  	s3 =	sld [smem:$0x3FFD];
	_ =	sdelay $0x3  }
0x96: {  	_ =	strace s3  }
0x97: {  	_ =	strace $0x8FFFFFFF  }
0x98: {  	s19 =	sld [smem:$0x3FDB];
	_ =	sdelay $0x1  }
0x99: {  	s4 =	simm.s32 $_scs_section_size  }
0x9a: {  	s5 =	simm.s32 $_size__tile_overlayer_lowered;
	s6 =	simm.s32 $_tile_overlayer_lowered  }
0x9b: {  	s22 =	simm.s32 $0x1BFF;
	s21 =	sshll.u32 s6, $0x1;
	s3 =	sadd.s32 s4, s19  }
0x9c: {  	s7 =	simm.s32 $0x0;
	s20 =	sshll.u32 s5, $0x1;
	s5 =	sadd.s32 s21, s3  }
0x9d: {  	[timem:s7], [sflag:s22] =	dma.local [hbm:s5], s20  }
0x9e: {  	_ =	swait.ge [sflag:s22], s20  }
0x9f: {  	s4 =	ssub.s32 $0x0, s20;
	[sflag:s22] =	ssyncset.done $0x0  }
0xa0: {  	[sflag:s22] =	ssyncadd.s32 s4;
	_ =	sdelay $0x1  }
0xa1: {  	s23 =	simm.s32 $0x1B8B  }
0xa2: {  	_ =	swait.ge [sflag:s23], $0x1  }
0xa3: {  	[sflag:s23] =	ssyncset.done $0x0  }
0xa4: {  	s25 =	simm.s32 $0x1B8E;
	s24 =	sld [smem:$0x3FFE];
	[sflag:s23] =	ssyncadd.s32 $0xFFFFFFFF  }
0xa5: {  	s26 =	simm.s32 $execute0_lowered;
	[smem:$0x3FD2] =	sst s25  }
0xa6: {  	s5 =	sshll.u32 s26, $0x1;
	_ =	strace $0x80000049;
	[dreg:$0x1] =	wrdreg $0xFFFFFFFF  }
0xa7: {  	s28 =	simm.s32 $_size_execute0_lowered;
	s3 =	sadd.s32 s3, s5;
	[dreg:$0x0] =	wrdreg $0x0  }
0xa8: {  	s5 =	sshll.u32 s28, $0x1;
	[dreg:$0x2] =	wrdreg s3  }
0xa9: {  	[dreg:$0x3] =	wrdreg s5  }
0xaa: {  	[dreg:$0x4] =	wrdreg $0xC0  }
0xab: {  	_ =	task [dreg:s7], $0x5FFFF  }
0xac: {  	[dreg:$0x1] =	wrdreg $0xFFFFFFFF  }
0xad: {  	[dreg:$0x0] =	wrdreg $0x60  }
0xae: {  	[dreg:$0x2] =	wrdreg s24  }
0xaf: {  	[dreg:$0x3] =	wrdreg s2  }
0xb0: {  	[dreg:$0x4] =	wrdreg $0xB7800  }
0xb1: {  	[dreg:$0x5] =	wrdreg $0x9  }
0xb2: {  	_ =	task.clear_ibuf [dreg:s7], $0x6FFFF;
	_ =	strace $0x90000049  }
0xb3: {  	s29 =	simm.s32 $0x9;
	_ =	strace $0x8000004B  }
0xb4: {  	_ =	swait.ge [sflag:s29], $0x1  }
0xb5: {  	[sflag:s29] =	ssyncadd.s32 $0xFFFFFFFF  }
0xb6: {  	_ =	strace $0x9000004B  }
0xb7: {  	_ =	sfence  }
0xb8: {  	s30 =	sld [smem:$0x0];
	_ =	sdelay $0x2  }
0xb9: {  	s31 =	sshll.u32 s1, $0xD;
	s1 =	sshrl.u32 s1, $0x2  }
0xba: {  	s3 =	sand.u32 $0x4000, s31;
	s1 =	sadd.s32 s1, s30  }
0xbb: {  	s0 =	sor.u32 s3, s0;
	s1 =	sshll.u32 s1, $0x11  }
0xbc: {  	s0 =	sor.u32 s1, s0  }
0xbd: {  	s0 =	sadd.s32 $0x8F2B, s0  }
0xbe: {  	[sflag:s0] =	ssyncadd.remote.s32 $0x1  }
0xbf: {  	_ =	sfence.sel $0xFFFF  }
0xc0: {  	[dreg:$0x0] =	wrdreg $0xFFFFFFFF;
	(pc) =	sbr.abs _section_cstart, $3  }
0xc1: {  	[dreg:$0x1] =	wrdreg $0xFFFFFFFF  }
0xc2: {  	_ =	task.clear_ibuf [dreg:s7], $0x2FFFF;
	_ =	strace $0x9FFFFFFF  }
0xc3: {  	(tm) =	ssettm $0x7FFFFFFF  }
tec
execute0_lowered:
.L_overlay_start_1:
0x0: {  	(tag) =	ssettag $0x1  }
0x1: {  	s6 =	rddreg [dreg:$0x0]  }
0x2: {  	s7 =	rddreg [dreg:$0x1]  }
0x3: {  	s0 =	srdreg.scid;
	s2 =	rddreg [dreg:$0x2];
	s3 =	simm.s32 $0x0  }
0x4: {  	s14 =	simm.s32 $0x6780;
	s15 =	simm.s32 $0x8F80;
	s16 =	simm.s32 $0x1  }
0x5: {  	s17 =	simm.s32 $0x2;
	s5 =	sand.u32 $0x1, s0;
	s0 =	stileid.u32  }
0x6: {  	s18 =	simm.s32 $0x0;
	[smem:$0x7FF] =	sst s3;
	s10 =	smul.u32 $0x13C00, s0  }
0x7: {  	s4 =	sadd.s32 $0xDA00, s6;
	s1 =	sshll.u32 s5, $0x4;
	s11 =	smul.u32 $0x13C000, s5  }
0x8: {  	s5 =	ssub.s32 $0x2, s5;
	s13 =	smul.u32 $0x4F000, s0;
	s31 =	sshll.u32 s0, $0x6  }
0x9: {  	s8 =	sor.u32 s0, s1;
	s1 =	rddreg [dreg:$0x3];
	_ =	strace $0x8000004A  }
0xa: {  	s28 =	sshrl.u32 s5, $0x1;
	s9 =	smul.u32 $0x4F0, s8;
	s12 =	sshrl.u32 s10, $0x3  }
0xb: {  	s10 =	sadd.s32 s10, s11;
	s11 =	ssub.s32 s5, s28;
	s29 =	sshll.u32 s8, $0xB  }
0xc: {  	s30 =	sshrl.u32 s13, $0x2;
	s10 =	sshrl.u32 s10, $0x3;
	s12 =	sadd.s32 s12, s6  }
0xd: {  	s13 =	sadd.s32 s30, s2;
	s9 =	sadd.s32 s9, s6;
	s10 =	sadd.s32 s10, s6  }
0xe: {  	s6 =	sadd.s32 s7, s29;
	s7 =	sadd.s32 $0x5CA00, s12;
	s12 =	sshrl.u32 s13, $0x3  }
0xf: {  	s13 =	simm.s32 $0x50;
	s5 =	sadd.s32 $0x3C00, s9;
	s8 =	sadd.s32 $0x84200, s10  }
0x10: {  	s9 =	smax.u32 s11, $0x1;
	s10 =	simm.s32 $0x3;
	s11 =	sor.u32 $0x1C03, s31  }
.LBB2_1:
0x11: {  	[tilespmem:s3], [sflag:$0x3] =	stream.linear.gather [hbm4b:s5+s3], $0x2780, $0x38;
	[tilespmem:$0x1F380] =	vst v63  }
0x12: {  	_ =	swait.ge [sflag:s10], $0x2780  }
0x13: {  	[sflag:s10] =	ssyncset.done $0x0  }
0x14: {  	s19 =	simm.s32 $0x2780;
	[sflag:s10] =	ssyncadd.s32 $0xFFFFD880  }
0x15: {  	[tilespmem:s19], [sflag:$0x3] =	stream.linear.gather [hbm4b:s6+s3], $0x3E80, $0x38;
	[tilespmem:$0x1F380] =	vst v63  }
0x16: {  	_ =	swait.ge [sflag:s10], $0x3E80  }
0x17: {  	[sflag:s10] =	ssyncset.done $0x0  }
0x18: {  	[sflag:s10] =	ssyncadd.s32 $0xFFFFC180  }
0x19: {  	[spmem:s12], [sflag:s11] =	dma.local [hbm:s7], $0x2780  }
0x1a: {  	_ =	swait.ge [sflag:s10], $0x2780  }
0x1b: {  	[sflag:s10] =	ssyncset.done $0x0  }
0x1c: {  	s20 =	sand.u32 $0x1, s3;
	[sflag:s10] =	ssyncadd.s32 $0xFFFFD880  }
0x1d: {  	p0 =	seq.s32 s20, $0x1;
	[bflag:$0x0] =	sbarrier.arrive $0xFFFF  }
0x1e: {  	[tilespmem:s14], [sflag:$0x1] =	stream.indirect.gather [hbm4b:s4+s13], $0x80, s3, s13, $0xb8;
	[tilespmem:$0x1F380] =	vst v63  }
0x1f: {  	s20 =	simm.s32 @p0 $0x2  }
0x20: {  	[tilespmem:s15], [sflag:$0x2] =	stream.indirect.gather [hbm4b:s4+s13], $0x80, s13, s13, $0xb8;
	[tilespmem:$0x1F380] =	vst v63  }
0x21: {  	s22 =	smin.u32 s3, $0x7A;
	_ =	swait.ge @p0 [sflag:s20], $0x2800  }
0x22: {  	s22 =	smul.u32 $0x140, s22;
	s21 =	simm.s32 @p0 $0x8F80;
	[sflag:s20] =	ssyncset.done @p0 $0x0  }
0x23: {  	s23 =	simm.s32 @p0 $0x3;
	[sflag:s20] =	ssyncadd.s32 @p0 $0xFFFFD800;
	s20 =	simm.s32 @p0 $0x50  }
0x24: {  	[spmem:s2] =	stream.indirect.scatter.add.f32 @p0 [tilespmem:s21], [sflag:$0x3], $0x80, s19, s20, $0xb8;
	[tilespmem:$0x1F380] =	vst v63  }
0x25: {  	_ =	swait.ge @p0 [sflag:s23], $0x2800  }
0x26: {  	s22 =	sshrl.u32 s22, $0x2;
	[sflag:s23] =	ssyncset.done @p0 $0x0;
	p0 =	por p0, p0  }
0x27: {  	s22 =	sadd.s32 $0xA0, s22;
	[sflag:s23] =	ssyncadd.s32 @p0 $0xFFFFD800;
	s24 =	simm.s32 @!p0 $0x1  }
0x28: {  	[tilespmem:s21], [sflag:$0x2] =	stream.indirect.gather @p0 [hbm4b:s4+s20], $0x80, s22, s20, $0xb8;
	[tilespmem:$0x1F380] =	vst v63  }
0x29: {  	_ =	swait.ge @!p0 [sflag:s24], $0x2800  }
0x2a: {  	s23 =	simm.s32 @!p0 $0x3;
	s25 =	simm.s32 @!p0 $0x6780;
	[sflag:s24] =	ssyncset.done @!p0 $0x0  }
0x2b: {  	s20 =	simm.s32 $0x1;
	[sflag:s24] =	ssyncadd.s32 @!p0 $0xFFFFD800;
	s24 =	simm.s32 @!p0 $0x50  }
0x2c: {  	[spmem:s2] =	stream.indirect.scatter.add.f32 @!p0 [tilespmem:s25], [sflag:$0x3], $0x80, s19, s24, $0xb8;
	[tilespmem:$0x1F380] =	vst v63  }
0x2d: {  	s21 =	simm.s32 $0x2;
	s31 =	sand.u32 $0x1, s20;
	_ =	swait.ge @!p0 [sflag:s23], $0x2800  }
0x2e: {  	p1 =	seq.s32 s31, $0x1;
	s19 =	simm.s32 $0x2800;
	[sflag:s23] =	ssyncset.done @!p0 $0x0  }
.LBB2_2:
0x2f: {  	s26 =	simm.s32 @p1 $0x2  }
0x30: {  	[sflag:s23] =	ssyncadd.s32 @!p0 $0xFFFFD800;
	s23 =	smov.u32 s21;
	s21 =	sadd.s32 $0x1, s21  }
0x31: {  	[tilespmem:s25], [sflag:$0x1] =	stream.indirect.gather @!p0 [hbm4b:s4+s24], $0x80, s22, s24, $0xb8;
	[tilespmem:$0x1F380] =	vst v63  }
0x32: {  	p2 =	sne.s32 s21, $0x7D;
	s24 =	simm.s32 @p1 $0x8F80;
	_ =	swait.ge @p1 [sflag:s26], $0x2800  }
0x33: {  	s20 =	smin.u32 s20, $0x7A;
	s25 =	simm.s32 @p1 $0x3;
	[sflag:s26] =	ssyncset.done @p1 $0x0  }
0x34: {  	s20 =	smul.u32 $0x140, s20;
	[sflag:s26] =	ssyncadd.s32 @p1 $0xFFFFD800;
	s26 =	simm.s32 @p1 $0x50  }
0x35: {  	[spmem:s2] =	stream.indirect.scatter.add.f32 @p1 [tilespmem:s24], [sflag:$0x3], $0x80, s19, s26, $0xb8;
	[tilespmem:$0x1F380] =	vst v63  }
0x36: {  	s22 =	sshrl.u32 s20, $0x2;
	s20 =	smov.u32 s23;
	_ =	swait.ge @p1 [sflag:s25], $0x2800  }
0x37: {  	p0 =	por p1, p1;
	[sflag:s25] =	ssyncset.done @p1 $0x0  }
0x38: {  	s22 =	sadd.s32 $0xA0, s22;
	[sflag:s25] =	ssyncadd.s32 @p0 $0xFFFFD800;
	s25 =	simm.s32 @!p0 $0x1  }
0x39: {  	[tilespmem:s24], [sflag:$0x2] =	stream.indirect.gather @p0 [hbm4b:s4+s26], $0x80, s22, s26, $0xb8;
	[tilespmem:$0x1F380] =	vst v63  }
0x3a: {  	_ =	swait.ge @!p0 [sflag:s25], $0x2800  }
.Ltmp0:
0x3b: {  	s23 =	simm.s32 @!p0 $0x3;
	[sflag:s25] =	ssyncset.done @!p0 $0x0;
	(pc) =	sbr.rel @p2 .LBB2_2-.Ltmp0, $4  }
0x3c: {  	s24 =	simm.s32 @!p0 $0x50;
	[sflag:s25] =	ssyncadd.s32 @!p0 $0xFFFFD800;
	s25 =	simm.s32 @!p0 $0x6780  }
0x3d: {  	[spmem:s2] =	stream.indirect.scatter.add.f32 @!p0 [tilespmem:s25], [sflag:$0x3], $0x80, s19, s24, $0xb8;
	[tilespmem:$0x1F380] =	vst v63  }
0x3e: {  	s26 =	sand.u32 $0x1, s20;
	_ =	swait.ge @!p0 [sflag:s23], $0x2800  }
0x3f: {  	p1 =	seq.s32 s26, $0x1;
	s19 =	sadd.s32 $0x80, s19;
	[sflag:s23] =	ssyncset.done @!p0 $0x0  }
0x40: {  	s21 =	simm.s32 @p1 $0x2;
	[sflag:s23] =	ssyncadd.s32 @!p0 $0xFFFFD800  }
0x41: {  	[tilespmem:s25], [sflag:$0x1] =	stream.indirect.gather @!p0 [hbm4b:s4+s24], $0x80, s22, s24, $0xb8;
	[tilespmem:$0x1F380] =	vst v63  }
0x42: {  	s20 =	smin.u32 s20, $0x7A;
	_ =	swait.ge @p1 [sflag:s21], $0x2800  }
0x43: {  	s23 =	simm.s32 @p1 $0x3;
	s22 =	simm.s32 @p1 $0x8F80;
	[sflag:s21] =	ssyncset.done @p1 $0x0  }
0x44: {  	s20 =	smul.u32 $0x140, s20;
	[sflag:s21] =	ssyncadd.s32 @p1 $0xFFFFD800;
	s21 =	simm.s32 @p1 $0x50  }
0x45: {  	[spmem:s2] =	stream.indirect.scatter.add.f32 @p1 [tilespmem:s22], [sflag:$0x3], $0x80, s19, s21, $0xb8;
	[tilespmem:$0x1F380] =	vst v63  }
0x46: {  	_ =	swait.ge @p1 [sflag:s23], $0x2800  }
0x47: {  	p0 =	por p1, p1;
	s20 =	sshrl.u32 s20, $0x2;
	[sflag:s23] =	ssyncset.done @p1 $0x0  }
0x48: {  	s20 =	sadd.s32 $0xA0, s20;
	[sflag:s23] =	ssyncadd.s32 @p0 $0xFFFFD800;
	s23 =	simm.s32 @!p0 $0x1  }
0x49: {  	[tilespmem:s22], [sflag:$0x2] =	stream.indirect.gather @p0 [hbm4b:s4+s21], $0x80, s20, s21, $0xb8;
	[tilespmem:$0x1F380] =	vst v63  }
0x4a: {  	_ =	swait.ge @!p0 [sflag:s23], $0x2800  }
0x4b: {  	s21 =	simm.s32 @!p0 $0x3;
	[sflag:s23] =	ssyncset.done @!p0 $0x0  }
0x4c: {  	s22 =	simm.s32 @!p0 $0x50;
	[sflag:s23] =	ssyncadd.s32 @!p0 $0xFFFFD800;
	s23 =	simm.s32 @!p0 $0x6780  }
0x4d: {  	[spmem:s2] =	stream.indirect.scatter.add.f32 @!p0 [tilespmem:s23], [sflag:$0x3], $0x80, s19, s22, $0xb8;
	[tilespmem:$0x1F380] =	vst v63  }
0x4e: {  	_ =	swait.ge @!p0 [sflag:s21], $0x2800  }
0x4f: {  	[sflag:s21] =	ssyncset.done @!p0 $0x0  }
0x50: {  	[sflag:s21] =	ssyncadd.s32 @!p0 $0xFFFFD800  }
0x51: {  	[tilespmem:s23], [sflag:$0x1] =	stream.indirect.gather @!p0 [hbm4b:s4+s22], $0x80, s20, s22, $0xb8;
	[tilespmem:$0x1F380] =	vst v63  }
0x52: {  	_ =	swait.ge [sflag:s16], $0x2800  }
0x53: {  	[sflag:s16] =	ssyncset.done $0x0  }
0x54: {  	[sflag:s16] =	ssyncadd.s32 $0xFFFFD800  }
0x55: {  	_ =	swait.ge [sflag:s17], $0x2800  }
0x56: {  	s18 =	sadd.s32 $0x1, s18;
	[sflag:s17] =	ssyncset.done $0x0  }
0x57: {  	p0 =	sne.s32 s18, s9;
	[sflag:s17] =	ssyncadd.s32 $0xFFFFD800  }
.Ltmp1:
0x58: {  	[bflag:$0x0] =	sbarrier.arrive $0xFFFF;
	(pc) =	sbr.rel @p0 .LBB2_1-.Ltmp1, $4  }
0x59: {  	[hbm:s8], [sflag:s11] =	dma.local [spmem:s12], $0x2780  }
0x5a: {  	_ =	swait.ge [sflag:s10], $0x2780  }
0x5b: {  	[sflag:s10] =	ssyncset.done $0x0  }
0x5c: {  	[sflag:s10] =	ssyncadd.s32 $0xFFFFD880  }
0x5d: {  	_ =	sfence.sel $0x180000  }
0x5e: {  	[bflag:$0x0] =	sbarrier.arrive $0xFFFF  }
0x5f: {  	p0 =	sne.s32 s0, $0x0;
	_ =	strace $0x9000004A  }
0x60: {  	s0 =	sadd.s32 @!p0 $0x100000, s1;
	[bflag:$0x2] =	sbarrier.arrive $0xFFFF  }
0x61: {  	[sflag:s0] =	ssyncadd.tile.s32 @!p0 $0x1;
	_ =	shalt  }
.Lfunc_end2:
_tile_overlayer_lowered:
.L_overlay_start_2:
0x62: {  	(tag) =	ssettag $0x2  }
0x63: {  	s0 =	rddreg [dreg:$0x0];
	s2 =	stileid.u32  }
0x64: {  	s1 =	rddreg [dreg:$0x1];
	p0 =	sne.s32 s2, $0x0  }
0x65: {  	s3 =	rddreg [dreg:$0x2];
	[bflag:$0x3] =	sbarrier.arrive $0xFFFF;
	s2 =	simm.s32 @!p0 $0x1C03  }
0x66: {  	[timem:s3], [sflag:s2] =	dma.local @!p0 [hbm:s0], s1  }
0x67: {  	s0 =	simm.s32 @!p0 $0x3  }
0x68: {  	_ =	swait.ge @!p0 [sflag:s0], s1  }
0x69: {  	s1 =	ssub.s32 @!p0 $0x0, s1;
	[sflag:s0] =	ssyncset.done @!p0 $0x0  }
0x6a: {  	[sflag:s0] =	ssyncadd.s32 @!p0 s1  }
0x6b: {  	[bflag:$0x3] =	sbarrier.arrive $0xFFFF  }
0x6c: {  	_ =	shalt  }

// kernel: kernel.14.cloned.1.call-start
scs
__scs_entry_jumppad:
0x0: {  	(pc) =	sbr.rel $0x88, $3  }
0x1: {  	(tag) =	ssettag $0x0;
	lr =	simm.s32 $0x1  }
0x2: {  	[smem:$0x3F9B] =	sst lr;
	_ =	strace $0xD0000000  }
0x3: {  	_ = 	snop  }
0x4: {  	_ = 	snop  }
0x5: {  	_ = 	snop  }
0x6: {  	_ = 	snop  }
0x7: {  	_ = 	snop  }
__scs_overlays_trampoline_lowered:
0x8: {  	[smem:$0x3FAA] =	sst s0  }
0x9: {  	[smem:$0x3FAB] =	sst s1  }
0xa: {  	[smem:$0x3FAC] =	sst s2  }
0xb: {  	[smem:$0x3FAD] =	sst s3  }
0xc: {  	[smem:$0x3FAE] =	sst s4  }
0xd: {  	[smem:$0x3FAF] =	sst s5  }
0xe: {  	[smem:$0x3FB0] =	sst s6  }
0xf: {  	[smem:$0x3FB1] =	sst s7  }
0x10: {  	[smem:$0x3FB2] =	sst s8  }
0x11: {  	[smem:$0x3FB3] =	sst s9;
	s0 =	simm.s32 @!p0 $0x0  }
0x12: {  	s1 =	sld [smem:$0x3F99];
	s0 =	simm.s32 @p0 $0x1  }
0x13: {  	[smem:$0x3FB4] =	sst s0;
	s0 =	simm.s32 @!p1 $0x0  }
0x14: {  	s2 =	sld [smem:$0x3F98];
	s0 =	simm.s32 @p1 $0x1  }
0x15: {  	[smem:$0x3FB5] =	sst s0;
	s0 =	simm.s32 @!p2 $0x0  }
0x16: {  	s3 =	sld [smem:$0x3FDB];
	s0 =	simm.s32 @p2 $0x1  }
0x17: {  	s4 =	simm.s32 $0x1BF5;
	[smem:$0x3FB7] =	sst s0  }
0x18: {  	s0 =	sld [smem:$0x3F9A];
	_ =	swait.ge [sflag:s4], $0x0  }
0x19: {  	s7 =	sld [smem:$0x3F9B]  }
0x1a: {  	s8 =	sadd.s32 $0xFFFFE003, lr  }
0x1b: {  	s9 =	sadd.s32 $0xFFFFFEF7, lr;
	s5 =	simm.s32 $0xFFFFFFFF;
	p2 =	slt.u32 s8, $0xFFFFF086  }
0x1c: {  	p1 =	slt.u32 s9, $0xF7A;
	s5 =	simm.s32 @!p2 $0x0  }
0x1d: {  	s5 =	simm.s32 @p1 $0x1;
	p0 =	seq.s32 s7, s2  }
0x1e: {  	s7 =	smul.u32 @!p0 $0xF7A, s2;
	p2 =	seq.s32 @!p0 s5, $0x0  }
0x1f: {  	s9 =	smul.u32 $0xF7A, s1;
	s8 =	simm.s32 @!p0 $0x1BF5;
	p2 =	por !p2, p0  }
0x20: {  	[sflag:s8] =	ssyncset.s32 @!p0 $0xFFFFF086;
	s6 =	sadd.s32 @!p0 s3, s7;
	s7 =	simm.s32 @!p0 $0x108  }
0x21: {  	s3 =	sadd.s32 s3, s9;
	s6 =	sadd.s32 @!p0 $0x88, s6;
	s7 =	simm.s32 @p2 $0x1082  }
0x22: {  	[simem:s7], [sflag:s8] =	dma.local @!p0 [hbm:s6], $0xF7A  }
0x23: {  	s9 =	sor.u32 $0xD0000000, s2;
	s6 =	simm.s32 $0x108;
	_ =	swait.ge @!p0 [sflag:s8], $0x0  }
0x24: {  	s3 =	sadd.s32 $0x88, s3;
	s6 =	simm.s32 @!p1 $0x1082;
	[sflag:s4] =	ssyncset.s32 $0xFFFFF086  }
0x25: {  	[simem:s6], [sflag:s4] =	dma.local [hbm:s3], $0xF7A  }
0x26: {  	[smem:$0x3F9B] =	sst s1;
	(tag) =	ssettag s2;
	_ =	strace s9  }
0x27: {  	s1 =	sld [smem:$0x3FAB]  }
0x28: {  	s2 =	sld [smem:$0x3FAC]  }
0x29: {  	s4 =	sld [smem:$0x3FAE]  }
0x2a: {  	p0 =	seq.s32 s5, $0x0;
	s5 =	sld [smem:$0x3FAF]  }
0x2b: {  	s6 =	sld [smem:$0x3FB0]  }
0x2c: {  	s7 =	sld [smem:$0x3FB1]  }
0x2d: {  	s3 =	simm.s32 $0x108;
	s8 =	sld [smem:$0x3FB2]  }
0x2e: {  	s3 =	simm.s32 @!p0 $0x1082;
	s9 =	sld [smem:$0x3FB3]  }
0x2f: {  	lr =	sadd.s32 s0, s3;
	s0 =	sld [smem:$0x3FAA]  }
0x30: {  	s3 =	sld [smem:$0x3FAD]  }
0x31: {  	[smem:$0x3FB6] =	sst s10  }
0x32: {  	s10 =	sld [smem:$0x3FB4];
	_ =	sdelay $0x3  }
0x33: {  	p0 =	seq.s32 s10, $0x1;
	s10 =	sld [smem:$0x3FB6];
	_ =	sdelay $0x3  }
0x34: {  	[smem:$0x3FB6] =	sst s10  }
0x35: {  	s10 =	sld [smem:$0x3FB5];
	_ =	sdelay $0x3  }
0x36: {  	p1 =	seq.s32 s10, $0x1;
	s10 =	sld [smem:$0x3FB6];
	_ =	sdelay $0x3  }
0x37: {  	[smem:$0x3FB6] =	sst s10  }
0x38: {  	s10 =	sld [smem:$0x3FB7]  }
0x39: {  	_ = 	snop;
	(pc) =	sbr.ind lr, $3  }
0x3a: {  	_ = 	snop  }
0x3b: {  	_ = 	snop  }
0x3c: {  	p2 =	seq.s32 s10, $0x1;
	s10 =	sld [smem:$0x3FB6]  }
0x3d: {  	_ =	shalt  }
0x3e: {  	_ =	shalt  }
0x3f: {  	_ =	shalt  }
0x40: {  	_ =	shalt  }
0x41: {  	_ =	shalt  }
0x42: {  	_ =	shalt  }
0x43: {  	_ =	shalt  }
0x44: {  	_ =	shalt  }
0x45: {  	_ =	shalt  }
0x46: {  	_ =	shalt  }
0x47: {  	_ =	shalt  }
0x48: {  	_ =	shalt  }
0x49: {  	_ =	shalt  }
0x4a: {  	_ =	shalt  }
0x4b: {  	_ =	shalt  }
0x4c: {  	_ =	shalt  }
0x4d: {  	_ =	shalt  }
0x4e: {  	_ =	shalt  }
0x4f: {  	_ =	shalt  }
0x50: {  	_ =	shalt  }
0x51: {  	_ =	shalt  }
0x52: {  	_ =	shalt  }
0x53: {  	_ =	shalt  }
0x54: {  	_ =	shalt  }
0x55: {  	_ =	shalt  }
0x56: {  	_ =	shalt  }
0x57: {  	_ =	shalt  }
0x58: {  	_ =	shalt  }
0x59: {  	_ =	shalt  }
0x5a: {  	_ =	shalt  }
0x5b: {  	_ =	shalt  }
0x5c: {  	_ =	shalt  }
0x5d: {  	_ =	shalt  }
0x5e: {  	_ =	shalt  }
0x5f: {  	_ =	shalt  }
0x60: {  	_ =	shalt  }
0x61: {  	_ =	shalt  }
0x62: {  	_ =	shalt  }
0x63: {  	_ =	shalt  }
0x64: {  	_ =	shalt  }
0x65: {  	_ =	shalt  }
0x66: {  	_ =	shalt  }
0x67: {  	_ =	shalt  }
0x68: {  	_ =	shalt  }
0x69: {  	_ =	shalt  }
0x6a: {  	_ =	shalt  }
0x6b: {  	_ =	shalt  }
0x6c: {  	_ =	shalt  }
0x6d: {  	_ =	shalt  }
0x6e: {  	_ =	shalt  }
0x6f: {  	_ =	shalt  }
0x70: {  	_ =	shalt  }
0x71: {  	_ =	shalt  }
0x72: {  	_ =	shalt  }
0x73: {  	_ =	shalt  }
0x74: {  	_ =	shalt  }
0x75: {  	_ =	shalt  }
0x76: {  	_ =	shalt  }
0x77: {  	_ =	shalt  }
0x78: {  	_ =	shalt  }
0x79: {  	_ =	shalt  }
0x7a: {  	_ =	shalt  }
0x7b: {  	_ =	shalt  }
0x7c: {  	_ =	shalt  }
0x7d: {  	_ =	shalt  }
0x7e: {  	_ =	shalt  }
0x7f: {  	_ =	shalt  }
0x80: {  	_ =	shalt  }
0x81: {  	_ =	shalt  }
0x82: {  	_ =	shalt  }
0x83: {  	_ =	shalt  }
0x84: {  	_ =	shalt  }
0x85: {  	_ =	shalt  }
0x86: {  	_ =	shalt  }
0x87: {  	_ =	shalt  }
.Lfunc_end0:
.L_simem_size_0:
called_computation.2_lowered:
.L_overlay_start_0:
0x88: {  	s2 =	sld [smem:$0x3FD9]  }
0x89: {  	s3 =	sld [smem:$0x3FFE];
	_ =	sdelay $0x1  }
0x8a: {  	s1 =	srdreg.scid  }
0x8b: {  	s0 =	sand.u32 $0x1, s1  }
0x8c: {  	s17 =	sshll.u32 s0, $0xA;
	s2 =	sadd.s32 s3, s2  }
0x8d: {  	s2 =	sadd.s32 s2, s17  }
0x8e: {  	[smem:$0x3FC2] =	sst s2  }
0x8f: {  	_ = 	snop  }
0x90: {  	s2 =	sld [smem:$0x3FD0];
	(tm) =	ssettm $0x1  }
0x91: {  	s18 =	sld [smem:$0x3FFB];
	_ =	sdelay $0x3  }
0x92: {  	_ =	strace s18  }
0x93: {  	s3 =	sld [smem:$0x3FFC];
	_ =	sdelay $0x3  }
0x94: {  	_ =	strace s3  }
0x95: {  	s3 =	sld [smem:$0x3FFD];
	_ =	sdelay $0x3  }
0x96: {  	_ =	strace s3  }
0x97: {  	_ =	strace $0x8FFFFFFF  }
0x98: {  	s19 =	sld [smem:$0x3FDB];
	_ =	sdelay $0x1  }
0x99: {  	s4 =	simm.s32 $_scs_section_size  }
0x9a: {  	s5 =	simm.s32 $_size__tile_overlayer_lowered;
	s6 =	simm.s32 $_tile_overlayer_lowered  }
0x9b: {  	s22 =	simm.s32 $0x1BFF;
	s21 =	sshll.u32 s6, $0x1;
	s3 =	sadd.s32 s4, s19  }
0x9c: {  	s7 =	simm.s32 $0x0;
	s20 =	sshll.u32 s5, $0x1;
	s5 =	sadd.s32 s21, s3  }
0x9d: {  	[timem:s7], [sflag:s22] =	dma.local [hbm:s5], s20  }
0x9e: {  	_ =	swait.ge [sflag:s22], s20  }
0x9f: {  	s4 =	ssub.s32 $0x0, s20;
	[sflag:s22] =	ssyncset.done $0x0  }
0xa0: {  	[sflag:s22] =	ssyncadd.s32 s4;
	_ =	sdelay $0x1  }
0xa1: {  	s23 =	simm.s32 $0x1B8B  }
0xa2: {  	_ =	swait.ge [sflag:s23], $0x1  }
0xa3: {  	[sflag:s23] =	ssyncset.done $0x0  }
0xa4: {  	s25 =	simm.s32 $0x1B8E;
	s24 =	sld [smem:$0x3FFE];
	[sflag:s23] =	ssyncadd.s32 $0xFFFFFFFF  }
0xa5: {  	s26 =	simm.s32 $execute0_lowered;
	[smem:$0x3FD2] =	sst s25  }
0xa6: {  	s5 =	sshll.u32 s26, $0x1;
	_ =	strace $0x8000004C;
	[dreg:$0x1] =	wrdreg $0xFFFFFFFF  }
0xa7: {  	s28 =	simm.s32 $_size_execute0_lowered;
	s3 =	sadd.s32 s3, s5;
	[dreg:$0x0] =	wrdreg $0x0  }
0xa8: {  	s5 =	sshll.u32 s28, $0x1;
	[dreg:$0x2] =	wrdreg s3  }
0xa9: {  	[dreg:$0x3] =	wrdreg s5  }
0xaa: {  	[dreg:$0x4] =	wrdreg $0xC0  }
0xab: {  	_ =	task [dreg:s7], $0x5FFFF  }
0xac: {  	[dreg:$0x1] =	wrdreg $0xFFFFFFFF  }
0xad: {  	[dreg:$0x0] =	wrdreg $0x60  }
0xae: {  	[dreg:$0x2] =	wrdreg s24  }
0xaf: {  	[dreg:$0x3] =	wrdreg s2  }
0xb0: {  	[dreg:$0x4] =	wrdreg $0xB7800  }
0xb1: {  	[dreg:$0x5] =	wrdreg $0x9  }
0xb2: {  	_ =	task.clear_ibuf [dreg:s7], $0x6FFFF;
	_ =	strace $0x9000004C  }
0xb3: {  	s29 =	simm.s32 $0x9;
	_ =	strace $0x8000004E  }
0xb4: {  	_ =	swait.ge [sflag:s29], $0x1  }
0xb5: {  	[sflag:s29] =	ssyncadd.s32 $0xFFFFFFFF  }
0xb6: {  	_ =	strace $0x9000004E  }
0xb7: {  	_ =	sfence  }
0xb8: {  	s30 =	sld [smem:$0x0];
	_ =	sdelay $0x2  }
0xb9: {  	s31 =	sshll.u32 s1, $0xD;
	s1 =	sshrl.u32 s1, $0x2  }
0xba: {  	s3 =	sand.u32 $0x4000, s31;
	s1 =	sadd.s32 s1, s30  }
0xbb: {  	s0 =	sor.u32 s3, s0;
	s1 =	sshll.u32 s1, $0x11  }
0xbc: {  	s0 =	sor.u32 s1, s0  }
0xbd: {  	s0 =	sadd.s32 $0x8F2B, s0  }
0xbe: {  	[sflag:s0] =	ssyncadd.remote.s32 $0x1  }
0xbf: {  	_ =	sfence.sel $0xFFFF  }
0xc0: {  	[dreg:$0x0] =	wrdreg $0xFFFFFFFF;
	(pc) =	sbr.abs _section_cstart, $3  }
0xc1: {  	[dreg:$0x1] =	wrdreg $0xFFFFFFFF  }
0xc2: {  	_ =	task.clear_ibuf [dreg:s7], $0x2FFFF;
	_ =	strace $0x9FFFFFFF  }
0xc3: {  	(tm) =	ssettm $0x7FFFFFFF  }
tec
execute0_lowered:
.L_overlay_start_1:
0x0: {  	(tag) =	ssettag $0x1  }
0x1: {  	s6 =	rddreg [dreg:$0x0]  }
0x2: {  	s7 =	rddreg [dreg:$0x1]  }
0x3: {  	s0 =	srdreg.scid;
	s2 =	rddreg [dreg:$0x2];
	s3 =	simm.s32 $0x0  }
0x4: {  	s14 =	simm.s32 $0x6780;
	s15 =	simm.s32 $0x8F80;
	s16 =	simm.s32 $0x1  }
0x5: {  	s17 =	simm.s32 $0x2;
	s5 =	sand.u32 $0x1, s0;
	s0 =	stileid.u32  }
0x6: {  	s18 =	simm.s32 $0x0;
	[smem:$0x7FF] =	sst s3;
	s10 =	smul.u32 $0x13C00, s0  }
0x7: {  	s4 =	sadd.s32 $0xDA00, s6;
	s1 =	sshll.u32 s5, $0x4;
	s11 =	smul.u32 $0x13C000, s5  }
0x8: {  	s5 =	ssub.s32 $0x2, s5;
	s13 =	smul.u32 $0x4F000, s0;
	s31 =	sshll.u32 s0, $0x6  }
0x9: {  	s8 =	sor.u32 s0, s1;
	s1 =	rddreg [dreg:$0x3];
	_ =	strace $0x8000004D  }
0xa: {  	s28 =	sshrl.u32 s5, $0x1;
	s9 =	smul.u32 $0x4F0, s8;
	s12 =	sshrl.u32 s10, $0x3  }
0xb: {  	s10 =	sadd.s32 s10, s11;
	s11 =	ssub.s32 s5, s28;
	s29 =	sshll.u32 s8, $0xB  }
0xc: {  	s30 =	sshrl.u32 s13, $0x2;
	s10 =	sshrl.u32 s10, $0x3;
	s12 =	sadd.s32 s12, s6  }
0xd: {  	s13 =	sadd.s32 s30, s2;
	s9 =	sadd.s32 s9, s6;
	s10 =	sadd.s32 s10, s6  }
0xe: {  	s6 =	sadd.s32 s7, s29;
	s7 =	sadd.s32 $0x5CA00, s12;
	s12 =	sshrl.u32 s13, $0x3  }
0xf: {  	s13 =	simm.s32 $0x50;
	s5 =	sadd.s32 $0x3C00, s9;
	s8 =	sadd.s32 $0xABA00, s10  }
0x10: {  	s9 =	smax.u32 s11, $0x1;
	s10 =	simm.s32 $0x3;
	s11 =	sor.u32 $0x1C03, s31  }
.LBB2_1:
0x11: {  	[tilespmem:s3], [sflag:$0x3] =	stream.linear.gather [hbm4b:s5+s3], $0x2780, $0x38;
	[tilespmem:$0x1F380] =	vst v63  }
0x12: {  	_ =	swait.ge [sflag:s10], $0x2780  }
0x13: {  	[sflag:s10] =	ssyncset.done $0x0  }
0x14: {  	s19 =	simm.s32 $0x2780;
	[sflag:s10] =	ssyncadd.s32 $0xFFFFD880  }
0x15: {  	[tilespmem:s19], [sflag:$0x3] =	stream.linear.gather [hbm4b:s6+s3], $0x3E80, $0x38;
	[tilespmem:$0x1F380] =	vst v63  }
0x16: {  	_ =	swait.ge [sflag:s10], $0x3E80  }
0x17: {  	[sflag:s10] =	ssyncset.done $0x0  }
0x18: {  	[sflag:s10] =	ssyncadd.s32 $0xFFFFC180  }
0x19: {  	[spmem:s12], [sflag:s11] =	dma.local [hbm:s7], $0x2780  }
0x1a: {  	_ =	swait.ge [sflag:s10], $0x2780  }
0x1b: {  	[sflag:s10] =	ssyncset.done $0x0  }
0x1c: {  	s20 =	sand.u32 $0x1, s3;
	[sflag:s10] =	ssyncadd.s32 $0xFFFFD880  }
0x1d: {  	p0 =	seq.s32 s20, $0x1;
	[bflag:$0x0] =	sbarrier.arrive $0xFFFF  }
0x1e: {  	[tilespmem:s14], [sflag:$0x1] =	stream.indirect.gather [hbm4b:s4+s13], $0x80, s3, s13, $0xb8;
	[tilespmem:$0x1F380] =	vst v63  }
0x1f: {  	s20 =	simm.s32 @p0 $0x2  }
0x20: {  	[tilespmem:s15], [sflag:$0x2] =	stream.indirect.gather [hbm4b:s4+s13], $0x80, s13, s13, $0xb8;
	[tilespmem:$0x1F380] =	vst v63  }
0x21: {  	s22 =	smin.u32 s3, $0x7A;
	_ =	swait.ge @p0 [sflag:s20], $0x2800  }
0x22: {  	s22 =	smul.u32 $0x140, s22;
	s21 =	simm.s32 @p0 $0x8F80;
	[sflag:s20] =	ssyncset.done @p0 $0x0  }
0x23: {  	s23 =	simm.s32 @p0 $0x3;
	[sflag:s20] =	ssyncadd.s32 @p0 $0xFFFFD800;
	s20 =	simm.s32 @p0 $0x50  }
0x24: {  	[spmem:s2] =	stream.indirect.scatter.add.f32 @p0 [tilespmem:s21], [sflag:$0x3], $0x80, s19, s20, $0xb8;
	[tilespmem:$0x1F380] =	vst v63  }
0x25: {  	_ =	swait.ge @p0 [sflag:s23], $0x2800  }
0x26: {  	s22 =	sshrl.u32 s22, $0x2;
	[sflag:s23] =	ssyncset.done @p0 $0x0;
	p0 =	por p0, p0  }
0x27: {  	s22 =	sadd.s32 $0xA0, s22;
	[sflag:s23] =	ssyncadd.s32 @p0 $0xFFFFD800;
	s24 =	simm.s32 @!p0 $0x1  }
0x28: {  	[tilespmem:s21], [sflag:$0x2] =	stream.indirect.gather @p0 [hbm4b:s4+s20], $0x80, s22, s20, $0xb8;
	[tilespmem:$0x1F380] =	vst v63  }
0x29: {  	_ =	swait.ge @!p0 [sflag:s24], $0x2800  }
0x2a: {  	s23 =	simm.s32 @!p0 $0x3;
	s25 =	simm.s32 @!p0 $0x6780;
	[sflag:s24] =	ssyncset.done @!p0 $0x0  }
0x2b: {  	s20 =	simm.s32 $0x1;
	[sflag:s24] =	ssyncadd.s32 @!p0 $0xFFFFD800;
	s24 =	simm.s32 @!p0 $0x50  }
0x2c: {  	[spmem:s2] =	stream.indirect.scatter.add.f32 @!p0 [tilespmem:s25], [sflag:$0x3], $0x80, s19, s24, $0xb8;
	[tilespmem:$0x1F380] =	vst v63  }
0x2d: {  	s21 =	simm.s32 $0x2;
	s31 =	sand.u32 $0x1, s20;
	_ =	swait.ge @!p0 [sflag:s23], $0x2800  }
0x2e: {  	p1 =	seq.s32 s31, $0x1;
	s19 =	simm.s32 $0x2800;
	[sflag:s23] =	ssyncset.done @!p0 $0x0  }
.LBB2_2:
0x2f: {  	s26 =	simm.s32 @p1 $0x2  }
0x30: {  	[sflag:s23] =	ssyncadd.s32 @!p0 $0xFFFFD800;
	s23 =	smov.u32 s21;
	s21 =	sadd.s32 $0x1, s21  }
0x31: {  	[tilespmem:s25], [sflag:$0x1] =	stream.indirect.gather @!p0 [hbm4b:s4+s24], $0x80, s22, s24, $0xb8;
	[tilespmem:$0x1F380] =	vst v63  }
0x32: {  	p2 =	sne.s32 s21, $0x7D;
	s24 =	simm.s32 @p1 $0x8F80;
	_ =	swait.ge @p1 [sflag:s26], $0x2800  }
0x33: {  	s20 =	smin.u32 s20, $0x7A;
	s25 =	simm.s32 @p1 $0x3;
	[sflag:s26] =	ssyncset.done @p1 $0x0  }
0x34: {  	s20 =	smul.u32 $0x140, s20;
	[sflag:s26] =	ssyncadd.s32 @p1 $0xFFFFD800;
	s26 =	simm.s32 @p1 $0x50  }
0x35: {  	[spmem:s2] =	stream.indirect.scatter.add.f32 @p1 [tilespmem:s24], [sflag:$0x3], $0x80, s19, s26, $0xb8;
	[tilespmem:$0x1F380] =	vst v63  }
0x36: {  	s22 =	sshrl.u32 s20, $0x2;
	s20 =	smov.u32 s23;
	_ =	swait.ge @p1 [sflag:s25], $0x2800  }
0x37: {  	p0 =	por p1, p1;
	[sflag:s25] =	ssyncset.done @p1 $0x0  }
0x38: {  	s22 =	sadd.s32 $0xA0, s22;
	[sflag:s25] =	ssyncadd.s32 @p0 $0xFFFFD800;
	s25 =	simm.s32 @!p0 $0x1  }
0x39: {  	[tilespmem:s24], [sflag:$0x2] =	stream.indirect.gather @p0 [hbm4b:s4+s26], $0x80, s22, s26, $0xb8;
	[tilespmem:$0x1F380] =	vst v63  }
0x3a: {  	_ =	swait.ge @!p0 [sflag:s25], $0x2800  }
.Ltmp0:
0x3b: {  	s23 =	simm.s32 @!p0 $0x3;
	[sflag:s25] =	ssyncset.done @!p0 $0x0;
	(pc) =	sbr.rel @p2 .LBB2_2-.Ltmp0, $4  }
0x3c: {  	s24 =	simm.s32 @!p0 $0x50;
	[sflag:s25] =	ssyncadd.s32 @!p0 $0xFFFFD800;
	s25 =	simm.s32 @!p0 $0x6780  }
0x3d: {  	[spmem:s2] =	stream.indirect.scatter.add.f32 @!p0 [tilespmem:s25], [sflag:$0x3], $0x80, s19, s24, $0xb8;
	[tilespmem:$0x1F380] =	vst v63  }
0x3e: {  	s26 =	sand.u32 $0x1, s20;
	_ =	swait.ge @!p0 [sflag:s23], $0x2800  }
0x3f: {  	p1 =	seq.s32 s26, $0x1;
	s19 =	sadd.s32 $0x80, s19;
	[sflag:s23] =	ssyncset.done @!p0 $0x0  }
0x40: {  	s21 =	simm.s32 @p1 $0x2;
	[sflag:s23] =	ssyncadd.s32 @!p0 $0xFFFFD800  }
0x41: {  	[tilespmem:s25], [sflag:$0x1] =	stream.indirect.gather @!p0 [hbm4b:s4+s24], $0x80, s22, s24, $0xb8;
	[tilespmem:$0x1F380] =	vst v63  }
0x42: {  	s20 =	smin.u32 s20, $0x7A;
	_ =	swait.ge @p1 [sflag:s21], $0x2800  }
0x43: {  	s23 =	simm.s32 @p1 $0x3;
	s22 =	simm.s32 @p1 $0x8F80;
	[sflag:s21] =	ssyncset.done @p1 $0x0  }
0x44: {  	s20 =	smul.u32 $0x140, s20;
	[sflag:s21] =	ssyncadd.s32 @p1 $0xFFFFD800;
	s21 =	simm.s32 @p1 $0x50  }
0x45: {  	[spmem:s2] =	stream.indirect.scatter.add.f32 @p1 [tilespmem:s22], [sflag:$0x3], $0x80, s19, s21, $0xb8;
	[tilespmem:$0x1F380] =	vst v63  }
0x46: {  	_ =	swait.ge @p1 [sflag:s23], $0x2800  }
0x47: {  	p0 =	por p1, p1;
	s20 =	sshrl.u32 s20, $0x2;
	[sflag:s23] =	ssyncset.done @p1 $0x0  }
0x48: {  	s20 =	sadd.s32 $0xA0, s20;
	[sflag:s23] =	ssyncadd.s32 @p0 $0xFFFFD800;
	s23 =	simm.s32 @!p0 $0x1  }
0x49: {  	[tilespmem:s22], [sflag:$0x2] =	stream.indirect.gather @p0 [hbm4b:s4+s21], $0x80, s20, s21, $0xb8;
	[tilespmem:$0x1F380] =	vst v63  }
0x4a: {  	_ =	swait.ge @!p0 [sflag:s23], $0x2800  }
0x4b: {  	s21 =	simm.s32 @!p0 $0x3;
	[sflag:s23] =	ssyncset.done @!p0 $0x0  }
0x4c: {  	s22 =	simm.s32 @!p0 $0x50;
	[sflag:s23] =	ssyncadd.s32 @!p0 $0xFFFFD800;
	s23 =	simm.s32 @!p0 $0x6780  }
0x4d: {  	[spmem:s2] =	stream.indirect.scatter.add.f32 @!p0 [tilespmem:s23], [sflag:$0x3], $0x80, s19, s22, $0xb8;
	[tilespmem:$0x1F380] =	vst v63  }
0x4e: {  	_ =	swait.ge @!p0 [sflag:s21], $0x2800  }
0x4f: {  	[sflag:s21] =	ssyncset.done @!p0 $0x0  }
0x50: {  	[sflag:s21] =	ssyncadd.s32 @!p0 $0xFFFFD800  }
0x51: {  	[tilespmem:s23], [sflag:$0x1] =	stream.indirect.gather @!p0 [hbm4b:s4+s22], $0x80, s20, s22, $0xb8;
	[tilespmem:$0x1F380] =	vst v63  }
0x52: {  	_ =	swait.ge [sflag:s16], $0x2800  }
0x53: {  	[sflag:s16] =	ssyncset.done $0x0  }
0x54: {  	[sflag:s16] =	ssyncadd.s32 $0xFFFFD800  }
0x55: {  	_ =	swait.ge [sflag:s17], $0x2800  }
0x56: {  	s18 =	sadd.s32 $0x1, s18;
	[sflag:s17] =	ssyncset.done $0x0  }
0x57: {  	p0 =	sne.s32 s18, s9;
	[sflag:s17] =	ssyncadd.s32 $0xFFFFD800  }
.Ltmp1:
0x58: {  	[bflag:$0x0] =	sbarrier.arrive $0xFFFF;
	(pc) =	sbr.rel @p0 .LBB2_1-.Ltmp1, $4  }
0x59: {  	[hbm:s8], [sflag:s11] =	dma.local [spmem:s12], $0x2780  }
0x5a: {  	_ =	swait.ge [sflag:s10], $0x2780  }
0x5b: {  	[sflag:s10] =	ssyncset.done $0x0  }
0x5c: {  	[sflag:s10] =	ssyncadd.s32 $0xFFFFD880  }
0x5d: {  	_ =	sfence.sel $0x180000  }
0x5e: {  	[bflag:$0x0] =	sbarrier.arrive $0xFFFF  }
0x5f: {  	p0 =	sne.s32 s0, $0x0;
	_ =	strace $0x9000004D  }
0x60: {  	s0 =	sadd.s32 @!p0 $0x100000, s1;
	[bflag:$0x2] =	sbarrier.arrive $0xFFFF  }
0x61: {  	[sflag:s0] =	ssyncadd.tile.s32 @!p0 $0x1;
	_ =	shalt  }
.Lfunc_end2:
_tile_overlayer_lowered:
.L_overlay_start_2:
0x62: {  	(tag) =	ssettag $0x2  }
0x63: {  	s0 =	rddreg [dreg:$0x0];
	s2 =	stileid.u32  }
0x64: {  	s1 =	rddreg [dreg:$0x1];
	p0 =	sne.s32 s2, $0x0  }
0x65: {  	s3 =	rddreg [dreg:$0x2];
	[bflag:$0x3] =	sbarrier.arrive $0xFFFF;
	s2 =	simm.s32 @!p0 $0x1C03  }
0x66: {  	[timem:s3], [sflag:s2] =	dma.local @!p0 [hbm:s0], s1  }
0x67: {  	s0 =	simm.s32 @!p0 $0x3  }
0x68: {  	_ =	swait.ge @!p0 [sflag:s0], s1  }
0x69: {  	s1 =	ssub.s32 @!p0 $0x0, s1;
	[sflag:s0] =	ssyncset.done @!p0 $0x0  }
0x6a: {  	[sflag:s0] =	ssyncadd.s32 @!p0 s1  }
0x6b: {  	[bflag:$0x3] =	sbarrier.arrive $0xFFFF  }
0x6c: {  	_ =	shalt  }

// kernel: kernel.8.cloned.1.call-start
scs
__scs_entry_jumppad:
0x0: {  	(pc) =	sbr.rel $0x88, $3  }
0x1: {  	(tag) =	ssettag $0x0;
	lr =	simm.s32 $0x1  }
0x2: {  	[smem:$0x3F9B] =	sst lr;
	_ =	strace $0xD0000000  }
0x3: {  	_ = 	snop  }
0x4: {  	_ = 	snop  }
0x5: {  	_ = 	snop  }
0x6: {  	_ = 	snop  }
0x7: {  	_ = 	snop  }
__scs_overlays_trampoline_lowered:
0x8: {  	[smem:$0x3FAA] =	sst s0  }
0x9: {  	[smem:$0x3FAB] =	sst s1  }
0xa: {  	[smem:$0x3FAC] =	sst s2  }
0xb: {  	[smem:$0x3FAD] =	sst s3  }
0xc: {  	[smem:$0x3FAE] =	sst s4  }
0xd: {  	[smem:$0x3FAF] =	sst s5  }
0xe: {  	[smem:$0x3FB0] =	sst s6  }
0xf: {  	[smem:$0x3FB1] =	sst s7  }
0x10: {  	[smem:$0x3FB2] =	sst s8  }
0x11: {  	[smem:$0x3FB3] =	sst s9;
	s0 =	simm.s32 @!p0 $0x0  }
0x12: {  	s1 =	sld [smem:$0x3F99];
	s0 =	simm.s32 @p0 $0x1  }
0x13: {  	[smem:$0x3FB4] =	sst s0;
	s0 =	simm.s32 @!p1 $0x0  }
0x14: {  	s2 =	sld [smem:$0x3F98];
	s0 =	simm.s32 @p1 $0x1  }
0x15: {  	[smem:$0x3FB5] =	sst s0;
	s0 =	simm.s32 @!p2 $0x0  }
0x16: {  	s3 =	sld [smem:$0x3FDB];
	s0 =	simm.s32 @p2 $0x1  }
0x17: {  	s4 =	simm.s32 $0x1BF5;
	[smem:$0x3FB7] =	sst s0  }
0x18: {  	s0 =	sld [smem:$0x3F9A];
	_ =	swait.ge [sflag:s4], $0x0  }
0x19: {  	s7 =	sld [smem:$0x3F9B]  }
0x1a: {  	s8 =	sadd.s32 $0xFFFFE003, lr  }
0x1b: {  	s9 =	sadd.s32 $0xFFFFFEF7, lr;
	s5 =	simm.s32 $0xFFFFFFFF;
	p2 =	slt.u32 s8, $0xFFFFF086  }
0x1c: {  	p1 =	slt.u32 s9, $0xF7A;
	s5 =	simm.s32 @!p2 $0x0  }
0x1d: {  	s5 =	simm.s32 @p1 $0x1;
	p0 =	seq.s32 s7, s2  }
0x1e: {  	s7 =	smul.u32 @!p0 $0xF7A, s2;
	p2 =	seq.s32 @!p0 s5, $0x0  }
0x1f: {  	s9 =	smul.u32 $0xF7A, s1;
	s8 =	simm.s32 @!p0 $0x1BF5;
	p2 =	por !p2, p0  }
0x20: {  	[sflag:s8] =	ssyncset.s32 @!p0 $0xFFFFF086;
	s6 =	sadd.s32 @!p0 s3, s7;
	s7 =	simm.s32 @!p0 $0x108  }
0x21: {  	s3 =	sadd.s32 s3, s9;
	s6 =	sadd.s32 @!p0 $0x88, s6;
	s7 =	simm.s32 @p2 $0x1082  }
0x22: {  	[simem:s7], [sflag:s8] =	dma.local @!p0 [hbm:s6], $0xF7A  }
0x23: {  	s9 =	sor.u32 $0xD0000000, s2;
	s6 =	simm.s32 $0x108;
	_ =	swait.ge @!p0 [sflag:s8], $0x0  }
0x24: {  	s3 =	sadd.s32 $0x88, s3;
	s6 =	simm.s32 @!p1 $0x1082;
	[sflag:s4] =	ssyncset.s32 $0xFFFFF086  }
0x25: {  	[simem:s6], [sflag:s4] =	dma.local [hbm:s3], $0xF7A  }
0x26: {  	[smem:$0x3F9B] =	sst s1;
	(tag) =	ssettag s2;
	_ =	strace s9  }
0x27: {  	s1 =	sld [smem:$0x3FAB]  }
0x28: {  	s2 =	sld [smem:$0x3FAC]  }
0x29: {  	s4 =	sld [smem:$0x3FAE]  }
0x2a: {  	p0 =	seq.s32 s5, $0x0;
	s5 =	sld [smem:$0x3FAF]  }
0x2b: {  	s6 =	sld [smem:$0x3FB0]  }
0x2c: {  	s7 =	sld [smem:$0x3FB1]  }
0x2d: {  	s3 =	simm.s32 $0x108;
	s8 =	sld [smem:$0x3FB2]  }
0x2e: {  	s3 =	simm.s32 @!p0 $0x1082;
	s9 =	sld [smem:$0x3FB3]  }
0x2f: {  	lr =	sadd.s32 s0, s3;
	s0 =	sld [smem:$0x3FAA]  }
0x30: {  	s3 =	sld [smem:$0x3FAD]  }
0x31: {  	[smem:$0x3FB6] =	sst s10  }
0x32: {  	s10 =	sld [smem:$0x3FB4];
	_ =	sdelay $0x3  }
0x33: {  	p0 =	seq.s32 s10, $0x1;
	s10 =	sld [smem:$0x3FB6];
	_ =	sdelay $0x3  }
0x34: {  	[smem:$0x3FB6] =	sst s10  }
0x35: {  	s10 =	sld [smem:$0x3FB5];
	_ =	sdelay $0x3  }
0x36: {  	p1 =	seq.s32 s10, $0x1;
	s10 =	sld [smem:$0x3FB6];
	_ =	sdelay $0x3  }
0x37: {  	[smem:$0x3FB6] =	sst s10  }
0x38: {  	s10 =	sld [smem:$0x3FB7]  }
0x39: {  	_ = 	snop;
	(pc) =	sbr.ind lr, $3  }
0x3a: {  	_ = 	snop  }
0x3b: {  	_ = 	snop  }
0x3c: {  	p2 =	seq.s32 s10, $0x1;
	s10 =	sld [smem:$0x3FB6]  }
0x3d: {  	_ =	shalt  }
0x3e: {  	_ =	shalt  }
0x3f: {  	_ =	shalt  }
0x40: {  	_ =	shalt  }
0x41: {  	_ =	shalt  }
0x42: {  	_ =	shalt  }
0x43: {  	_ =	shalt  }
0x44: {  	_ =	shalt  }
0x45: {  	_ =	shalt  }
0x46: {  	_ =	shalt  }
0x47: {  	_ =	shalt  }
0x48: {  	_ =	shalt  }
0x49: {  	_ =	shalt  }
0x4a: {  	_ =	shalt  }
0x4b: {  	_ =	shalt  }
0x4c: {  	_ =	shalt  }
0x4d: {  	_ =	shalt  }
0x4e: {  	_ =	shalt  }
0x4f: {  	_ =	shalt  }
0x50: {  	_ =	shalt  }
0x51: {  	_ =	shalt  }
0x52: {  	_ =	shalt  }
0x53: {  	_ =	shalt  }
0x54: {  	_ =	shalt  }
0x55: {  	_ =	shalt  }
0x56: {  	_ =	shalt  }
0x57: {  	_ =	shalt  }
0x58: {  	_ =	shalt  }
0x59: {  	_ =	shalt  }
0x5a: {  	_ =	shalt  }
0x5b: {  	_ =	shalt  }
0x5c: {  	_ =	shalt  }
0x5d: {  	_ =	shalt  }
0x5e: {  	_ =	shalt  }
0x5f: {  	_ =	shalt  }
0x60: {  	_ =	shalt  }
0x61: {  	_ =	shalt  }
0x62: {  	_ =	shalt  }
0x63: {  	_ =	shalt  }
0x64: {  	_ =	shalt  }
0x65: {  	_ =	shalt  }
0x66: {  	_ =	shalt  }
0x67: {  	_ =	shalt  }
0x68: {  	_ =	shalt  }
0x69: {  	_ =	shalt  }
0x6a: {  	_ =	shalt  }
0x6b: {  	_ =	shalt  }
0x6c: {  	_ =	shalt  }
0x6d: {  	_ =	shalt  }
0x6e: {  	_ =	shalt  }
0x6f: {  	_ =	shalt  }
0x70: {  	_ =	shalt  }
0x71: {  	_ =	shalt  }
0x72: {  	_ =	shalt  }
0x73: {  	_ =	shalt  }
0x74: {  	_ =	shalt  }
0x75: {  	_ =	shalt  }
0x76: {  	_ =	shalt  }
0x77: {  	_ =	shalt  }
0x78: {  	_ =	shalt  }
0x79: {  	_ =	shalt  }
0x7a: {  	_ =	shalt  }
0x7b: {  	_ =	shalt  }
0x7c: {  	_ =	shalt  }
0x7d: {  	_ =	shalt  }
0x7e: {  	_ =	shalt  }
0x7f: {  	_ =	shalt  }
0x80: {  	_ =	shalt  }
0x81: {  	_ =	shalt  }
0x82: {  	_ =	shalt  }
0x83: {  	_ =	shalt  }
0x84: {  	_ =	shalt  }
0x85: {  	_ =	shalt  }
0x86: {  	_ =	shalt  }
0x87: {  	_ =	shalt  }
.Lfunc_end0:
.L_simem_size_0:
called_computation_lowered:
.L_overlay_start_0:
0x88: {  	s2 =	sld [smem:$0x3FD9]  }
0x89: {  	s3 =	sld [smem:$0x3FFE];
	_ =	sdelay $0x1  }
0x8a: {  	s1 =	srdreg.scid  }
0x8b: {  	s0 =	sand.u32 $0x1, s1  }
0x8c: {  	s17 =	sshll.u32 s0, $0xA;
	s2 =	sadd.s32 s3, s2  }
0x8d: {  	s2 =	sadd.s32 s2, s17  }
0x8e: {  	[smem:$0x3FC2] =	sst s2  }
0x8f: {  	_ = 	snop  }
0x90: {  	s2 =	sld [smem:$0x3FD0];
	(tm) =	ssettm $0x1  }
0x91: {  	s18 =	sld [smem:$0x3FFB];
	_ =	sdelay $0x3  }
0x92: {  	_ =	strace s18  }
0x93: {  	s3 =	sld [smem:$0x3FFC];
	_ =	sdelay $0x3  }
0x94: {  	_ =	strace s3  }
0x95: {  	s3 =	sld [smem:$0x3FFD];
	_ =	sdelay $0x3  }
0x96: {  	_ =	strace s3  }
0x97: {  	_ =	strace $0x8FFFFFFF  }
0x98: {  	s19 =	sld [smem:$0x3FDB];
	_ =	sdelay $0x1  }
0x99: {  	s4 =	simm.s32 $_scs_section_size  }
0x9a: {  	s5 =	simm.s32 $_size__tile_overlayer_lowered;
	s6 =	simm.s32 $_tile_overlayer_lowered  }
0x9b: {  	s22 =	simm.s32 $0x1BFF;
	s21 =	sshll.u32 s6, $0x1;
	s3 =	sadd.s32 s4, s19  }
0x9c: {  	s7 =	simm.s32 $0x0;
	s20 =	sshll.u32 s5, $0x1;
	s5 =	sadd.s32 s21, s3  }
0x9d: {  	[timem:s7], [sflag:s22] =	dma.local [hbm:s5], s20  }
0x9e: {  	_ =	swait.ge [sflag:s22], s20  }
0x9f: {  	s4 =	ssub.s32 $0x0, s20;
	[sflag:s22] =	ssyncset.done $0x0  }
0xa0: {  	[sflag:s22] =	ssyncadd.s32 s4;
	_ =	sdelay $0x1  }
0xa1: {  	s23 =	simm.s32 $0x1B8B  }
0xa2: {  	_ =	swait.ge [sflag:s23], $0x1  }
0xa3: {  	[sflag:s23] =	ssyncset.done $0x0  }
0xa4: {  	s25 =	simm.s32 $0x1B8E;
	s24 =	sld [smem:$0x3FFE];
	[sflag:s23] =	ssyncadd.s32 $0xFFFFFFFF  }
0xa5: {  	s26 =	simm.s32 $execute0_lowered;
	[smem:$0x3FD2] =	sst s25  }
0xa6: {  	s5 =	sshll.u32 s26, $0x1;
	_ =	strace $0x80000046;
	[dreg:$0x1] =	wrdreg $0xFFFFFFFF  }
0xa7: {  	s28 =	simm.s32 $_size_execute0_lowered;
	s3 =	sadd.s32 s3, s5;
	[dreg:$0x0] =	wrdreg $0x0  }
0xa8: {  	s5 =	sshll.u32 s28, $0x1;
	[dreg:$0x2] =	wrdreg s3  }
0xa9: {  	[dreg:$0x3] =	wrdreg s5  }
0xaa: {  	[dreg:$0x4] =	wrdreg $0xC0  }
0xab: {  	_ =	task [dreg:s7], $0x5FFFF  }
0xac: {  	[dreg:$0x1] =	wrdreg $0xFFFFFFFF  }
0xad: {  	[dreg:$0x0] =	wrdreg $0x60  }
0xae: {  	[dreg:$0x2] =	wrdreg s2  }
0xaf: {  	[dreg:$0x3] =	wrdreg s24  }
0xb0: {  	[dreg:$0x4] =	wrdreg $0x40800  }
0xb1: {  	[dreg:$0x5] =	wrdreg $0x9  }
0xb2: {  	_ =	task.clear_ibuf [dreg:s7], $0x6FFFF;
	_ =	strace $0x90000046  }
0xb3: {  	s29 =	simm.s32 $0x9;
	_ =	strace $0x80000048  }
0xb4: {  	_ =	swait.ge [sflag:s29], $0x1  }
0xb5: {  	[sflag:s29] =	ssyncadd.s32 $0xFFFFFFFF  }
0xb6: {  	_ =	strace $0x90000048  }
0xb7: {  	_ =	sfence  }
0xb8: {  	s30 =	sld [smem:$0x0];
	_ =	sdelay $0x2  }
0xb9: {  	s31 =	sshll.u32 s1, $0xD;
	s1 =	sshrl.u32 s1, $0x2  }
0xba: {  	s3 =	sand.u32 $0x4000, s31;
	s1 =	sadd.s32 s1, s30  }
0xbb: {  	s0 =	sor.u32 s3, s0;
	s1 =	sshll.u32 s1, $0x11  }
0xbc: {  	s0 =	sor.u32 s1, s0  }
0xbd: {  	s0 =	sadd.s32 $0x8F2B, s0  }
0xbe: {  	[sflag:s0] =	ssyncadd.remote.s32 $0x1  }
0xbf: {  	_ =	sfence.sel $0xFFFF  }
0xc0: {  	[dreg:$0x0] =	wrdreg $0xFFFFFFFF;
	(pc) =	sbr.abs _section_cstart, $3  }
0xc1: {  	[dreg:$0x1] =	wrdreg $0xFFFFFFFF  }
0xc2: {  	_ =	task.clear_ibuf [dreg:s7], $0x2FFFF;
	_ =	strace $0x9FFFFFFF  }
0xc3: {  	(tm) =	ssettm $0x7FFFFFFF  }
tec
execute0_lowered:
.L_overlay_start_1:
0x0: {  	(tag) =	ssettag $0x1  }
0x1: {  	s4 =	rddreg [dreg:$0x0]  }
0x2: {  	s5 =	rddreg [dreg:$0x1];
	s0 =	stileid.u32  }
0x3: {  	s1 =	srdreg.scid;
	s2 =	rddreg [dreg:$0x2];
	s3 =	simm.s32 $0x0  }
0x4: {  	s13 =	simm.s32 $0x1;
	s7 =	sand.u32 $0x1, s1;
	s1 =	rddreg [dreg:$0x3]  }
0x5: {  	s14 =	simm.s32 $0x0;
	s6 =	smul.u32 $0x300, s0;
	[smem:$0x7FF] =	sst s3  }
0x6: {  	s11 =	sshll.u32 s0, $0xB;
	s31 =	sshll.u32 s0, $0x6;
	s8 =	smul.u32 $0x3000, s7  }
0x7: {  	_ =	strace $0x80000047;
	s10 =	ssub.s32 $0x2, s7;
	s7 =	sshll.u32 s7, $0xF  }
0x8: {  	s4 =	sadd.s32 s4, s11;
	s11 =	simm.s32 $0x50;
	s9 =	sshrl.u32 s6, $0x3  }
0x9: {  	s12 =	sshrl.u32 s10, $0x1;
	s4 =	sadd.s32 s7, s4;
	s30 =	sadd.s32 s6, s2  }
0xa: {  	s9 =	sadd.s32 s9, s5;
	s8 =	sadd.s32 s6, s8;
	s10 =	ssub.s32 s10, s12  }
0xb: {  	s12 =	simm.s32 $0x4000;
	s8 =	sshrl.u32 s8, $0x3;
	s7 =	smax.u32 s10, $0x1  }
0xc: {  	s10 =	sshrl.u32 s30, $0x3;
	s8 =	sadd.s32 s8, s5;
	s5 =	sadd.s32 $0x2A00, s9  }
0xd: {  	v0 =	vimm.f32 $1.000000000e+00;
	s9 =	sor.u32 $0x1C02, s31;
	s6 =	sadd.s32 $0x3000, s8;
	s8 =	simm.s32 $0x2  }
.LBB2_1:
0xe: {  	[tilespmem:s3], [sflag:$0x2] =	stream.linear.gather [hbm4b:s4+s3], $0x3E80, $0x38;
	[tilespmem:$0x4380] =	vst v63  }
0xf: {  	_ =	swait.ge [sflag:s8], $0x3E80  }
0x10: {  	[sflag:s8] =	ssyncset.done $0x0  }
0x11: {  	[sflag:s8] =	ssyncadd.s32 $0xFFFFC180  }
0x12: {  	[tilespmem:$0x4000] =	vst v0  }
0x13: {  	[tilespmem:$0x4010] =	vst v0  }
0x14: {  	[tilespmem:$0x4020] =	vst v0  }
0x15: {  	[tilespmem:$0x4030] =	vst v0  }
0x16: {  	[tilespmem:$0x4040] =	vst v0  }
0x17: {  	[tilespmem:$0x4050] =	vst v0  }
0x18: {  	[tilespmem:$0x4060] =	vst v0  }
0x19: {  	[tilespmem:$0x4070] =	vst v0  }
0x1a: {  	[spmem:s10], [sflag:s9] =	dma.local [hbm:s5], $0x60  }
0x1b: {  	_ =	swait.ge [sflag:s8], $0x60  }
0x1c: {  	[sflag:s8] =	ssyncset.done $0x0  }
0x1d: {  	[sflag:s8] =	ssyncadd.s32 $0xFFFFFFA0  }
0x1e: {  	s15 =	simm.s32 $0x0;
	[bflag:$0x0] =	sbarrier.arrive $0xFFFF  }
.LBB2_2:
0x1f: {  	p0 =	sne.s32 s15, $0xF800  }
.Ltmp0:
0x20: {  	_ = 	snop;
	(pc) =	sbr.rel @p0 .LBB2_2-.Ltmp0, $3  }
0x21: {  	_ =	sdelay $0x1  }
0x22: {  	s16 =	sshra.s32 s15, $0x2;
	s15 =	sadd.s32 $0x200, s15  }
0x23: {  	[spmem:s2] =	stream.indirect.scatter.add.f32 [tilespmem:s12], [sflag:$0x1], $0x1, s16, s11, $0xb8;
	[tilespmem:$0x4380] =	vst v63  }
0x24: {  	_ =	swait.ge [sflag:s13], $0x50  }
0x25: {  	s15 =	simm.s32 $0x7C;
	[sflag:s13] =	ssyncset.done $0x0  }
.LBB2_4:
0x26: {  	p0 =	sne.s32 s15, $0x1;
	s15 =	sadd.s32 $0xFFFFFFFF, s15;
	[sflag:s13] =	ssyncadd.s32 $0xFFFFFFB0  }
.Ltmp1:
0x27: {  	(pc) =	sbr.rel @p0 .LBB2_4-.Ltmp1, $3  }
0x28: {  	_ =	sdelay $0x1  }
0x29: {  	_ =	swait.ge [sflag:s13], $0x50  }
0x2a: {  	[sflag:s13] =	ssyncset.done $0x0  }
0x2b: {  	s14 =	sadd.s32 $0x1, s14  }
0x2c: {  	[sflag:s13] =	ssyncadd.s32 $0xFFFFFFB0;
	p0 =	sne.s32 s14, s7  }
.Ltmp2:
0x2d: {  	[bflag:$0x0] =	sbarrier.arrive $0xFFFF;
	(pc) =	sbr.rel @p0 .LBB2_1-.Ltmp2, $4  }
0x2e: {  	[hbm:s6], [sflag:s9] =	dma.local [spmem:s10], $0x60  }
0x2f: {  	_ =	swait.ge [sflag:s8], $0x60  }
0x30: {  	[sflag:s8] =	ssyncset.done $0x0  }
0x31: {  	[sflag:s8] =	ssyncadd.s32 $0xFFFFFFA0  }
0x32: {  	_ =	sfence.sel $0x180000  }
0x33: {  	[bflag:$0x0] =	sbarrier.arrive $0xFFFF  }
0x34: {  	p0 =	sne.s32 s0, $0x0;
	_ =	strace $0x90000047  }
0x35: {  	s0 =	sadd.s32 @!p0 $0x100000, s1;
	[bflag:$0x2] =	sbarrier.arrive $0xFFFF  }
0x36: {  	[sflag:s0] =	ssyncadd.tile.s32 @!p0 $0x1;
	_ =	shalt  }
.Lfunc_end2:
_tile_overlayer_lowered:
.L_overlay_start_2:
0x37: {  	(tag) =	ssettag $0x2  }
0x38: {  	s0 =	rddreg [dreg:$0x0];
	s2 =	stileid.u32  }
0x39: {  	s1 =	rddreg [dreg:$0x1];
	p0 =	sne.s32 s2, $0x0  }
0x3a: {  	s3 =	rddreg [dreg:$0x2];
	[bflag:$0x3] =	sbarrier.arrive $0xFFFF;
	s2 =	simm.s32 @!p0 $0x1C02  }
0x3b: {  	[timem:s3], [sflag:s2] =	dma.local @!p0 [hbm:s0], s1  }
0x3c: {  	s0 =	simm.s32 @!p0 $0x2  }
0x3d: {  	_ =	swait.ge @!p0 [sflag:s0], s1  }
0x3e: {  	s1 =	ssub.s32 @!p0 $0x0, s1;
	[sflag:s0] =	ssyncset.done @!p0 $0x0  }
0x3f: {  	[sflag:s0] =	ssyncadd.s32 @!p0 s1  }
0x40: {  	[bflag:$0x3] =	sbarrier.arrive $0xFFFF  }
0x41: {  	_ =	shalt  }

</sc_bundles>
